<compile_context>
chip_gen: v7x
topology: tpu7x:2x2x1
jax: 0.10.2.dev20260603
libtpu: 0.0.44.dev20260713+nightly
codegen_flags: <defaults>
</compile_context>

<pallas_src>
import functools

import jax
import jax.numpy as jnp
import numpy as np
from jax import lax
from jax.experimental import pallas as pl
from jax.experimental.pallas import tpu as pltpu
from jax.experimental.pallas import tpu_sc as plsc

_G, _N, _D = 32, 256, 128
_P = 4
_HID = 256
_IB = 128
_NCLS = 10
_EPG = 4096
_EPSILON = 0.3
_SKIP = 0.2
_LANES = 16


def _sc_adjacency_body(ei, out, src_v, dst_v, adj_v, sem):
    nc = 2
    wid = lax.axis_index("s") * nc + lax.axis_index("c")
    cp_src = pltpu.async_copy(ei.at[0, wid], src_v, sem)
    cp_dst = pltpu.async_copy(ei.at[1, wid], dst_v, sem)

    zeros = jnp.zeros((_LANES,), jnp.float32)

    def zero_row(i, c):
        for j in range(_N // _LANES):
            adj_v[i, pl.ds(j * _LANES, _LANES)] = zeros
        return c

    lax.fori_loop(0, _N, zero_row, 0)
    cp_src.wait()
    cp_dst.wait()

    ones = jnp.ones((_LANES,), jnp.float32)

    def scatter_step(e, c):
        base = e * _LANES
        sv = src_v[pl.ds(base, _LANES)]
        dv = dst_v[pl.ds(base, _LANES)]
        plsc.store_scatter(adj_v, [sv, dv], ones)
        return c

    lax.fori_loop(0, _EPG // _LANES, scatter_step, 0)
    pltpu.sync_copy(adj_v, out.at[wid])


@functools.partial(
    pl.kernel,
    mesh=plsc.VectorSubcoreMesh(core_axis_name="c", subcore_axis_name="s"),
    out_type=jax.ShapeDtypeStruct((_G, _N, _N), jnp.float32),
    compiler_params=pltpu.CompilerParams(needs_layout_passes=False),
    scratch_types=[
        pltpu.VMEM((_EPG,), jnp.int32),
        pltpu.VMEM((_EPG,), jnp.int32),
        pltpu.VMEM((_N, _N), jnp.float32),
        pltpu.SemaphoreType.DMA,
    ],
)
def _sc_adjacency(ei, out, src_v, dst_v, adj_v, sem):
    _sc_adjacency_body(ei, out, src_v, dst_v, adj_v, sem)


_GPB = 8


def _graph_body(xg_ref, raw_ref, glw_ref, w1_ref, b1_ref, w2_ref, b2_ref,
                eps_ref, cw1_ref, cb1_ref, cw2_ref, cb2_ref,
                mu_ref, std_ref, lg_ref, embs_scr):
    lo = lax.Precision.DEFAULT
    g = pl.program_id(0)
    thresh = _P * float(np.float32(_EPSILON))

    for k in range(_GPB):
        xg = xg_ref[pl.ds(k * _N, _N), :]
        raw = raw_ref[k]

        parts = []
        for p in range(_P):
            ex = xg * glw_ref[p:p + 1, :]
            s = jnp.sum(ex * ex, axis=1, keepdims=True)
            parts.append(ex * lax.rsqrt(s))
        a_feat = jnp.concatenate(parts, axis=1)
        att = lax.dot_general(a_feat, a_feat, (((1,), (1,)), ((), ())),
                              precision=lo,
                              preferred_element_type=jnp.float32)

        bin_adj = jnp.where((raw > 0.0) | (att > thresh), 1.0, 0.0)
        deg = jnp.sum(bin_adj, axis=1, keepdims=True) + 1.0
        dinv = lax.rsqrt(deg)

        xw1 = jnp.dot(xg, w1_ref[...], precision=lo)
        dxw1 = dinv * xw1
        t1 = jnp.dot(bin_adj, dxw1, precision=lo) + dxw1
        h = jnp.maximum(dinv * t1 + b1_ref[...], 0.0)
        hw2 = jnp.dot(h, w2_ref[...], precision=lo)
        dhw2 = dinv * hw2
        o = (dinv * (jnp.dot(bin_adj, dhw2, precision=lo) + dhw2)
             + b2_ref[...])
        embs_scr[pl.ds(g * _GPB + k, 1), :] = jnp.mean(o, axis=0,
                                                       keepdims=True)

    @pl.when(g == _G // _GPB - 1)
    def _head():
        embs = embs_scr[...]
        mu = embs[:, :_IB]
        t = embs[:, _IB:] - float(_IB)
        std = jnp.maximum(t, 0.0) + jnp.log1p(jnp.exp(-jnp.abs(t)))
        z = mu + eps_ref[...] * std
        hc = jnp.maximum(
            jnp.dot(z, cw1_ref[...], precision=lo) + cb1_ref[...], 0.0)
        lg_ref[...] = jnp.dot(hc, cw2_ref[...], precision=lo) + cb2_ref[...]
        mu_ref[...] = mu
        std_ref[...] = std


def _graph_stage(x, raw, glw_pad, w1, b1_2d, w2, b2_2d,
                 eps, cw1, cb1_2d, cw2_pad, cb2_pad):
    zero2 = lambda g: (0, 0)
    return pl.pallas_call(
        _graph_body,
        grid=(_G // _GPB,),
        in_specs=[
            pl.BlockSpec((_GPB * _N, _D), lambda g: (g, 0)),
            pl.BlockSpec((_GPB, _N, _N), lambda g: (g, 0, 0)),
            pl.BlockSpec((8, _D), zero2),
            pl.BlockSpec((_D, _HID), zero2),
            pl.BlockSpec((1, _HID), zero2),
            pl.BlockSpec((_HID, 2 * _IB), zero2),
            pl.BlockSpec((1, 2 * _IB), zero2),
            pl.BlockSpec((_G, _IB), zero2),
            pl.BlockSpec((_IB, _IB), zero2),
            pl.BlockSpec((1, _IB), zero2),
            pl.BlockSpec((_IB, _IB), zero2),
            pl.BlockSpec((1, _IB), zero2),
        ],
        out_specs=(
            pl.BlockSpec((_G, _IB), zero2),
            pl.BlockSpec((_G, _IB), zero2),
            pl.BlockSpec((_G, _IB), zero2),
        ),
        out_shape=(
            jax.ShapeDtypeStruct((_G, _IB), jnp.float32),
            jax.ShapeDtypeStruct((_G, _IB), jnp.float32),
            jax.ShapeDtypeStruct((_G, _IB), jnp.float32),
        ),
        scratch_shapes=[pltpu.VMEM((_G, 2 * _IB), jnp.float32)],
    )(x, raw, glw_pad, w1, b1_2d, w2, b2_2d, eps, cw1, cb1_2d, cw2_pad,
      cb2_pad)


def kernel(x, edge_index, eps_noise, gl_weight, W1, b1, W2, b2,
           cW1, cb1, cW2, cb2):
    ei = edge_index.astype(jnp.int32)
    raw = _sc_adjacency(ei)

    glw_pad = jnp.pad(gl_weight, ((0, 8 - _P), (0, 0)))
    cw2_pad = jnp.pad(cW2, ((0, 0), (0, _IB - _NCLS)))
    cb2_pad = jnp.pad(cb2, (0, _IB - _NCLS)).reshape(1, -1)
    mu, std, lg = _graph_stage(x, raw, glw_pad, W1, b1.reshape(1, -1), W2,
                               b2.reshape(1, -1), eps_noise, cW1,
                               cb1.reshape(1, -1), cw2_pad, cb2_pad)
    return (mu, std, lg[:, :_NCLS])

# --- scband reference (transcript-rebuilt; emitter-appended) ---
"""Pipeline reference for scband-vibgsl-31104153157814 (READ-ONLY COPY).

The authoritative reference and input builder live on the scoring server;
editing this copy changes nothing except your own understanding.
"""

import jax, jax.numpy as jnp
import numpy as np

G, N, D = 32, 256, 128
P = 4
HID = 256
IB = 128
NCLS = 10
EPG = 4096
EPSILON = 0.3
SKIP = 0.2


def setup_inputs(seed: int = 0):
    key = jax.random.key(seed)
    ks = jax.random.split(key, 10)
    x = jax.random.normal(ks[0], (G * N, D), dtype=jnp.float32)
    edge_index = jax.random.randint(ks[1], (2, G, EPG), 0, N)
    eps_noise = jax.random.normal(ks[2], (G, IB), dtype=jnp.float32)
    gl_weight = jax.random.normal(ks[3], (P, D), dtype=jnp.float32)
    W1 = jax.random.normal(ks[4], (D, HID), dtype=jnp.float32) * (1.0 / np.sqrt(D))
    b1 = jnp.zeros((HID,), jnp.float32)
    W2 = jax.random.normal(ks[5], (HID, 2 * IB), dtype=jnp.float32) * (1.0 / np.sqrt(HID))
    b2 = jnp.zeros((2 * IB,), jnp.float32)
    cW1 = jax.random.normal(ks[6], (IB, IB), dtype=jnp.float32) * (1.0 / np.sqrt(IB))
    cb1 = jnp.zeros((IB,), jnp.float32)
    cW2 = jax.random.normal(ks[7], (IB, NCLS), dtype=jnp.float32) * (1.0 / np.sqrt(IB))
    cb2 = jnp.zeros((NCLS,), jnp.float32)
    return {"x": x, "edge_index": edge_index, "eps_noise": eps_noise,
            "gl_weight": gl_weight, "W1": W1, "b1": b1, "W2": W2, "b2": b2,
            "cW1": cW1, "cb1": cb1, "cW2": cW2, "cb2": cb2}


def _gcn_norm(adj):
    # GCNConv default: add self loops + symmetric degree normalization
    a = adj + jnp.eye(adj.shape[0], dtype=adj.dtype)
    deg = a.sum(-1)
    dinv = jnp.where(deg > 0, 1.0 / jnp.sqrt(deg), 0.0)
    return a * dinv[:, None] * dinv[None, :]


def _per_graph(xg, eidx, gl_weight, W1, b1, W2, b2):
    # to_dense_adj: scatter-add ones into dense [N, N]
    raw = jnp.zeros((N, N), jnp.float32).at[eidx[0], eidx[1]].add(1.0)
    # GraphLearner: weighted-cosine multi-perspective similarity
    ex = xg[None, :, :] * gl_weight[:, None, :]
    nrm = ex / (jnp.linalg.norm(ex, axis=-1, keepdims=True) + 1e-12)
    att = jnp.einsum('pnd,pmd->nm', nrm, nrm) / P
    # epsilon-graph sparsification (markoff value 0)
    att = att * (att > EPSILON)
    # learn_graph: skip connection with raw adjacency
    new_adj = SKIP * raw + (1.0 - SKIP) * att
    # dense_to_sparse -> edge_index only; backbone GCN ignores edge_attr,
    # so effective adjacency is binary nonzero pattern
    bin_adj = (new_adj != 0).astype(jnp.float32)
    norm = _gcn_norm(bin_adj)
    h = jax.nn.relu(norm @ (xg @ W1) + b1)
    out = norm @ (h @ W2) + b2
    return out


def reference(x, edge_index, eps_noise, gl_weight, W1, b1, W2, b2, cW1, cb1, cW2, cb2):
    xg = x.reshape(G, N, D)
    node_embs = jax.vmap(_per_graph, in_axes=(0, 1, None, None, None, None, None))(
        xg, edge_index, gl_weight, W1, b1, W2, b2)
    # global_mean_pool over equally-sized graphs
    graph_embs = node_embs.mean(axis=1)
    mu = graph_embs[:, :IB]
    std = jax.nn.softplus(graph_embs[:, IB:] - IB)
    # reparametrize_n with externally supplied standard normal noise
    new_graph_embs = mu + eps_noise * std
    # classifier (eval mode: Dropout = identity)
    hcls = jax.nn.relu(new_graph_embs @ cW1 + cb1)
    logits = hcls @ cW2 + cb2
    return (mu, std, logits)

if __name__ == "__main__":
    import jax
    _d = setup_inputs()
    print(jax.jit(kernel)(*tuple(_d.values())))

</pallas_src>

<mosaic_0001>
#map = affine_map<(d0, d1) -> (0, 0, 0)>
module attributes {stable_mosaic.version = 14 : i64} {
  func.func @_sc_adjacency(%arg0: i32, %arg1: i32, %arg2: memref<2x32x4096xi32, #tpu.memory_space<hbm>>, %arg3: memref<32x256x256xf32, #tpu.memory_space<hbm>>, %arg4: memref<4096xi32, #tpu.memory_space<vmem>>, %arg5: memref<4096xi32, #tpu.memory_space<vmem>>, %arg6: memref<256x256xf32, #tpu.memory_space<vmem>>, %arg7: memref<!tpu.dma_semaphore, #tpu.memory_space<semaphore_mem>>) attributes {dimension_semantics = [#tpu.dimension_semantics<core_parallel>, #tpu.dimension_semantics<subcore_parallel>], iteration_bounds = array<i64: 2, 16>, scalar_prefetch = 0 : i64, scratch_operands = 4 : i64, tpu.core_type = #tpu.core_type<sc_vector_subcore>, window_params = [{transform_indices = #map}, {transform_indices = #map}]} {
    %mul3A = arith.constant 2 : i32
    %mul3A_0 = arith.muli %arg1, %mul3A : i32
    %add3A = arith.addi %mul3A_0, %arg0 : i32
    %dma_start3A = arith.constant 0 : i32
    %dma_start3A_1 = arith.constant 0 : i32
    %dma_start3A_2 = tpu.memref_slice %arg2[%dma_start3A, %add3A, %dma_start3A_1] : memref<2x32x4096xi32, #tpu.memory_space<hbm>> -> memref<1x1x4096xi32, #tpu.memory_space<hbm>>
    %dma_start3A_3 = tpu.memref_squeeze %dma_start3A_2 : memref<1x1x4096xi32, #tpu.memory_space<hbm>> -> memref<4096xi32, #tpu.memory_space<hbm>>
    %dma_start3A_4 = arith.constant 0 : i32
    %dma_start3A_5 = tpu.memref_slice %arg2[%dma_start3A, %add3A, %dma_start3A_4] : memref<2x32x4096xi32, #tpu.memory_space<hbm>> -> memref<1x1x4096xi32, #tpu.memory_space<hbm>>
    %dma_start3A_6 = tpu.memref_squeeze %dma_start3A_5 : memref<1x1x4096xi32, #tpu.memory_space<hbm>> -> memref<4096xi32, #tpu.memory_space<hbm>>
    tpu.enqueue_dma source(%dma_start3A_6 : memref<4096xi32, #tpu.memory_space<hbm>>) target(%arg4 : memref<4096xi32, #tpu.memory_space<vmem>>) target_semaphore(%arg7 : memref<!tpu.dma_semaphore, #tpu.memory_space<semaphore_mem>>)
    %dma_start3A_7 = arith.constant 1 : i32
    %dma_start3A_8 = arith.constant 0 : i32
    %dma_start3A_9 = tpu.memref_slice %arg2[%dma_start3A_7, %add3A, %dma_start3A_8] : memref<2x32x4096xi32, #tpu.memory_space<hbm>> -> memref<1x1x4096xi32, #tpu.memory_space<hbm>>
    %dma_start3A_10 = tpu.memref_squeeze %dma_start3A_9 : memref<1x1x4096xi32, #tpu.memory_space<hbm>> -> memref<4096xi32, #tpu.memory_space<hbm>>
    %dma_start3A_11 = arith.constant 0 : i32
    %dma_start3A_12 = tpu.memref_slice %arg2[%dma_start3A_7, %add3A, %dma_start3A_11] : memref<2x32x4096xi32, #tpu.memory_space<hbm>> -> memref<1x1x4096xi32, #tpu.memory_space<hbm>>
    %dma_start3A_13 = tpu.memref_squeeze %dma_start3A_12 : memref<1x1x4096xi32, #tpu.memory_space<hbm>> -> memref<4096xi32, #tpu.memory_space<hbm>>
    tpu.enqueue_dma source(%dma_start3A_13 : memref<4096xi32, #tpu.memory_space<hbm>>) target(%arg5 : memref<4096xi32, #tpu.memory_space<vmem>>) target_semaphore(%arg7 : memref<!tpu.dma_semaphore, #tpu.memory_space<semaphore_mem>>)
    %broadcast_in_dim3A = arith.constant 0.000000e+00 : f32
    %broadcast_in_dim3A_14 = vector.broadcast %broadcast_in_dim3A : f32 to vector<16xf32>
    %scan3A = arith.constant 0 : i32
    %scan3A_15 = arith.constant 0 : i32
    %scan3A_16 = arith.constant 256 : i32
    %scan3A_17 = arith.addi %scan3A_15, %scan3A_16 : i32
    %scan3A_18 = arith.constant 1 : i32
    scf.for %scan3A_41 = %scan3A_15 to %scan3A_17 step %scan3A_18  : i32 {
      %swap3A = arith.index_cast %scan3A_41 : i32 to index
      %swap3A_42 = arith.constant 0 : index
      %swap3A_43 = tpu.vector_load %arg6[%swap3A, %swap3A_42] {strides = array<i32>} : memref<256x256xf32, #tpu.memory_space<vmem>>, vector<16xf32>,
      tpu.vector_store %arg6[%swap3A, %swap3A_42], %broadcast_in_dim3A_14 {strides = array<i32>} : memref<256x256xf32, #tpu.memory_space<vmem>>, vector<16xf32>,
      %swap3A_44 = arith.index_cast %scan3A_41 : i32 to index
      %swap3A_45 = arith.constant 16 : index
      %swap3A_46 = tpu.vector_load %arg6[%swap3A_44, %swap3A_45] {strides = array<i32>} : memref<256x256xf32, #tpu.memory_space<vmem>>, vector<16xf32>,
      tpu.vector_store %arg6[%swap3A_44, %swap3A_45], %broadcast_in_dim3A_14 {strides = array<i32>} : memref<256x256xf32, #tpu.memory_space<vmem>>, vector<16xf32>,
      %swap3A_47 = arith.index_cast %scan3A_41 : i32 to index
      %swap3A_48 = arith.constant 32 : index
      %swap3A_49 = tpu.vector_load %arg6[%swap3A_47, %swap3A_48] {strides = array<i32>} : memref<256x256xf32, #tpu.memory_space<vmem>>, vector<16xf32>,
      tpu.vector_store %arg6[%swap3A_47, %swap3A_48], %broadcast_in_dim3A_14 {strides = array<i32>} : memref<256x256xf32, #tpu.memory_space<vmem>>, vector<16xf32>,
      %swap3A_50 = arith.index_cast %scan3A_41 : i32 to index
      %swap3A_51 = arith.constant 48 : index
      %swap3A_52 = tpu.vector_load %arg6[%swap3A_50, %swap3A_51] {strides = array<i32>} : memref<256x256xf32, #tpu.memory_space<vmem>>, vector<16xf32>,
      tpu.vector_store %arg6[%swap3A_50, %swap3A_51], %broadcast_in_dim3A_14 {strides = array<i32>} : memref<256x256xf32, #tpu.memory_space<vmem>>, vector<16xf32>,
      %swap3A_53 = arith.index_cast %scan3A_41 : i32 to index
      %swap3A_54 = arith.constant 64 : index
      %swap3A_55 = tpu.vector_load %arg6[%swap3A_53, %swap3A_54] {strides = array<i32>} : memref<256x256xf32, #tpu.memory_space<vmem>>, vector<16xf32>,
      tpu.vector_store %arg6[%swap3A_53, %swap3A_54], %broadcast_in_dim3A_14 {strides = array<i32>} : memref<256x256xf32, #tpu.memory_space<vmem>>, vector<16xf32>,
      %swap3A_56 = arith.index_cast %scan3A_41 : i32 to index
      %swap3A_57 = arith.constant 80 : index
      %swap3A_58 = tpu.vector_load %arg6[%swap3A_56, %swap3A_57] {strides = array<i32>} : memref<256x256xf32, #tpu.memory_space<vmem>>, vector<16xf32>,
      tpu.vector_store %arg6[%swap3A_56, %swap3A_57], %broadcast_in_dim3A_14 {strides = array<i32>} : memref<256x256xf32, #tpu.memory_space<vmem>>, vector<16xf32>,
      %swap3A_59 = arith.index_cast %scan3A_41 : i32 to index
      %swap3A_60 = arith.constant 96 : index
      %swap3A_61 = tpu.vector_load %arg6[%swap3A_59, %swap3A_60] {strides = array<i32>} : memref<256x256xf32, #tpu.memory_space<vmem>>, vector<16xf32>,
      tpu.vector_store %arg6[%swap3A_59, %swap3A_60], %broadcast_in_dim3A_14 {strides = array<i32>} : memref<256x256xf32, #tpu.memory_space<vmem>>, vector<16xf32>,
      %swap3A_62 = arith.index_cast %scan3A_41 : i32 to index
      %swap3A_63 = arith.constant 112 : index
      %swap3A_64 = tpu.vector_load %arg6[%swap3A_62, %swap3A_63] {strides = array<i32>} : memref<256x256xf32, #tpu.memory_space<vmem>>, vector<16xf32>,
      tpu.vector_store %arg6[%swap3A_62, %swap3A_63], %broadcast_in_dim3A_14 {strides = array<i32>} : memref<256x256xf32, #tpu.memory_space<vmem>>, vector<16xf32>,
      %swap3A_65 = arith.index_cast %scan3A_41 : i32 to index
      %swap3A_66 = arith.constant 128 : index
      %swap3A_67 = tpu.vector_load %arg6[%swap3A_65, %swap3A_66] {strides = array<i32>} : memref<256x256xf32, #tpu.memory_space<vmem>>, vector<16xf32>,
      tpu.vector_store %arg6[%swap3A_65, %swap3A_66], %broadcast_in_dim3A_14 {strides = array<i32>} : memref<256x256xf32, #tpu.memory_space<vmem>>, vector<16xf32>,
      %swap3A_68 = arith.index_cast %scan3A_41 : i32 to index
      %swap3A_69 = arith.constant 144 : index
      %swap3A_70 = tpu.vector_load %arg6[%swap3A_68, %swap3A_69] {strides = array<i32>} : memref<256x256xf32, #tpu.memory_space<vmem>>, vector<16xf32>,
      tpu.vector_store %arg6[%swap3A_68, %swap3A_69], %broadcast_in_dim3A_14 {strides = array<i32>} : memref<256x256xf32, #tpu.memory_space<vmem>>, vector<16xf32>,
      %swap3A_71 = arith.index_cast %scan3A_41 : i32 to index
      %swap3A_72 = arith.constant 160 : index
      %swap3A_73 = tpu.vector_load %arg6[%swap3A_71, %swap3A_72] {strides = array<i32>} : memref<256x256xf32, #tpu.memory_space<vmem>>, vector<16xf32>,
      tpu.vector_store %arg6[%swap3A_71, %swap3A_72], %broadcast_in_dim3A_14 {strides = array<i32>} : memref<256x256xf32, #tpu.memory_space<vmem>>, vector<16xf32>,
      %swap3A_74 = arith.index_cast %scan3A_41 : i32 to index
      %swap3A_75 = arith.constant 176 : index
      %swap3A_76 = tpu.vector_load %arg6[%swap3A_74, %swap3A_75] {strides = array<i32>} : memref<256x256xf32, #tpu.memory_space<vmem>>, vector<16xf32>,
      tpu.vector_store %arg6[%swap3A_74, %swap3A_75], %broadcast_in_dim3A_14 {strides = array<i32>} : memref<256x256xf32, #tpu.memory_space<vmem>>, vector<16xf32>,
      %swap3A_77 = arith.index_cast %scan3A_41 : i32 to index
      %swap3A_78 = arith.constant 192 : index
      %swap3A_79 = tpu.vector_load %arg6[%swap3A_77, %swap3A_78] {strides = array<i32>} : memref<256x256xf32, #tpu.memory_space<vmem>>, vector<16xf32>,
      tpu.vector_store %arg6[%swap3A_77, %swap3A_78], %broadcast_in_dim3A_14 {strides = array<i32>} : memref<256x256xf32, #tpu.memory_space<vmem>>, vector<16xf32>,
      %swap3A_80 = arith.index_cast %scan3A_41 : i32 to index
      %swap3A_81 = arith.constant 208 : index
      %swap3A_82 = tpu.vector_load %arg6[%swap3A_80, %swap3A_81] {strides = array<i32>} : memref<256x256xf32, #tpu.memory_space<vmem>>, vector<16xf32>,
      tpu.vector_store %arg6[%swap3A_80, %swap3A_81], %broadcast_in_dim3A_14 {strides = array<i32>} : memref<256x256xf32, #tpu.memory_space<vmem>>, vector<16xf32>,
      %swap3A_83 = arith.index_cast %scan3A_41 : i32 to index
      %swap3A_84 = arith.constant 224 : index
      %swap3A_85 = tpu.vector_load %arg6[%swap3A_83, %swap3A_84] {strides = array<i32>} : memref<256x256xf32, #tpu.memory_space<vmem>>, vector<16xf32>,
      tpu.vector_store %arg6[%swap3A_83, %swap3A_84], %broadcast_in_dim3A_14 {strides = array<i32>} : memref<256x256xf32, #tpu.memory_space<vmem>>, vector<16xf32>,
      %swap3A_86 = arith.index_cast %scan3A_41 : i32 to index
      %swap3A_87 = arith.constant 240 : index
      %swap3A_88 = tpu.vector_load %arg6[%swap3A_86, %swap3A_87] {strides = array<i32>} : memref<256x256xf32, #tpu.memory_space<vmem>>, vector<16xf32>,
      tpu.vector_store %arg6[%swap3A_86, %swap3A_87], %broadcast_in_dim3A_14 {strides = array<i32>} : memref<256x256xf32, #tpu.memory_space<vmem>>, vector<16xf32>,
    }
    %scan3A_19 = arith.constant 256 : i32
    %dma_wait3A = arith.constant 0 : i32
    %dma_wait3A_20 = arith.constant 0 : i32
    %dma_wait3A_21 = tpu.memref_slice %arg2[%dma_wait3A, %add3A, %dma_wait3A_20] : memref<2x32x4096xi32, #tpu.memory_space<hbm>> -> memref<1x1x4096xi32, #tpu.memory_space<hbm>>
    %dma_wait3A_22 = tpu.memref_squeeze %dma_wait3A_21 : memref<1x1x4096xi32, #tpu.memory_space<hbm>> -> memref<4096xi32, #tpu.memory_space<hbm>>
    %dma_wait3A_23 = arith.constant 0 : i32
    %dma_wait3A_24 = tpu.memref_slice %arg2[%dma_wait3A, %add3A, %dma_wait3A_23] : memref<2x32x4096xi32, #tpu.memory_space<hbm>> -> memref<1x1x4096xi32, #tpu.memory_space<hbm>>
    %dma_wait3A_25 = tpu.memref_squeeze %dma_wait3A_24 : memref<1x1x4096xi32, #tpu.memory_space<hbm>> -> memref<4096xi32, #tpu.memory_space<hbm>>
    tpu.wait_dma2 semaphore(%arg7 : memref<!tpu.dma_semaphore, #tpu.memory_space<semaphore_mem>>) src(%dma_wait3A_25 : memref<4096xi32, #tpu.memory_space<hbm>>) dst(%arg4 : memref<4096xi32, #tpu.memory_space<vmem>>)
    %dma_wait3A_26 = arith.constant 1 : i32
    %dma_wait3A_27 = arith.constant 0 : i32
    %dma_wait3A_28 = tpu.memref_slice %arg2[%dma_wait3A_26, %add3A, %dma_wait3A_27] : memref<2x32x4096xi32, #tpu.memory_space<hbm>> -> memref<1x1x4096xi32, #tpu.memory_space<hbm>>
    %dma_wait3A_29 = tpu.memref_squeeze %dma_wait3A_28 : memref<1x1x4096xi32, #tpu.memory_space<hbm>> -> memref<4096xi32, #tpu.memory_space<hbm>>
    %dma_wait3A_30 = arith.constant 0 : i32
    %dma_wait3A_31 = tpu.memref_slice %arg2[%dma_wait3A_26, %add3A, %dma_wait3A_30] : memref<2x32x4096xi32, #tpu.memory_space<hbm>> -> memref<1x1x4096xi32, #tpu.memory_space<hbm>>
    %dma_wait3A_32 = tpu.memref_squeeze %dma_wait3A_31 : memref<1x1x4096xi32, #tpu.memory_space<hbm>> -> memref<4096xi32, #tpu.memory_space<hbm>>
    tpu.wait_dma2 semaphore(%arg7 : memref<!tpu.dma_semaphore, #tpu.memory_space<semaphore_mem>>) src(%dma_wait3A_32 : memref<4096xi32, #tpu.memory_space<hbm>>) dst(%arg5 : memref<4096xi32, #tpu.memory_space<vmem>>)
    %broadcast_in_dim3A_33 = arith.constant 1.000000e+00 : f32
    %broadcast_in_dim3A_34 = vector.broadcast %broadcast_in_dim3A_33 : f32 to vector<16xf32>
    %scan3A_35 = arith.constant 0 : i32
    %scan3A_36 = arith.constant 0 : i32
    %scan3A_37 = arith.constant 256 : i32
    %scan3A_38 = arith.addi %scan3A_36, %scan3A_37 : i32
    %scan3A_39 = arith.constant 1 : i32
    scf.for %scan3A_41 = %scan3A_36 to %scan3A_38 step %scan3A_39  : i32 {
      %mul3A_42 = arith.constant 16 : i32
      %mul3A_43 = arith.muli %scan3A_41, %mul3A_42 : i32
      %get3A = arith.index_cast %mul3A_43 : i32 to index
      %get3A_44 = tpu.vector_load %arg4[%get3A] {strides = array<i32>} : memref<4096xi32, #tpu.memory_space<vmem>>, vector<16xi32>,
      %get3A_45 = arith.index_cast %mul3A_43 : i32 to index
      %get3A_46 = tpu.vector_load %arg5[%get3A_45] {strides = array<i32>} : memref<4096xi32, #tpu.memory_space<vmem>>, vector<16xi32>,
      tpu.vector_store_idx %arg6[%get3A_44, %get3A_46], %broadcast_in_dim3A_34 : memref<256x256xf32, #tpu.memory_space<vmem>>[vector<16xi32>, vector<16xi32>], vector<16xf32>,
    }
    %scan3A_40 = arith.constant 256 : i32
    "tpu.region"() ({
      %run_scoped3A = tpu.sem_alloc : memref<!tpu.dma_semaphore, #tpu.memory_space<semaphore_mem>>
      %dma_start3A_41 = arith.constant 0 : i32
      %dma_start3A_42 = arith.constant 0 : i32
      %dma_start3A_43 = tpu.memref_slice %arg3[%add3A, %dma_start3A_41, %dma_start3A_42] : memref<32x256x256xf32, #tpu.memory_space<hbm>> -> memref<1x256x256xf32, #tpu.memory_space<hbm>>
      %dma_start3A_44 = tpu.memref_squeeze %dma_start3A_43 : memref<1x256x256xf32, #tpu.memory_space<hbm>> -> memref<256x256xf32, #tpu.memory_space<hbm>>
      %dma_start3A_45 = arith.constant 0 : i32
      %dma_start3A_46 = arith.constant 0 : i32
      %dma_start3A_47 = tpu.memref_slice %arg3[%add3A, %dma_start3A_45, %dma_start3A_46] : memref<32x256x256xf32, #tpu.memory_space<hbm>> -> memref<1x256x256xf32, #tpu.memory_space<hbm>>
      %dma_start3A_48 = tpu.memref_squeeze %dma_start3A_47 : memref<1x256x256xf32, #tpu.memory_space<hbm>> -> memref<256x256xf32, #tpu.memory_space<hbm>>
      tpu.enqueue_dma source(%arg6 : memref<256x256xf32, #tpu.memory_space<vmem>>) target(%dma_start3A_48 : memref<256x256xf32, #tpu.memory_space<hbm>>) target_semaphore(%run_scoped3A : memref<!tpu.dma_semaphore, #tpu.memory_space<semaphore_mem>>)
      %dma_wait3A_49 = arith.constant 0 : i32
      %dma_wait3A_50 = arith.constant 0 : i32
      %dma_wait3A_51 = tpu.memref_slice %arg3[%add3A, %dma_wait3A_49, %dma_wait3A_50] : memref<32x256x256xf32, #tpu.memory_space<hbm>> -> memref<1x256x256xf32, #tpu.memory_space<hbm>>
      %dma_wait3A_52 = tpu.memref_squeeze %dma_wait3A_51 : memref<1x256x256xf32, #tpu.memory_space<hbm>> -> memref<256x256xf32, #tpu.memory_space<hbm>>
      %dma_wait3A_53 = arith.constant 0 : i32
      %dma_wait3A_54 = arith.constant 0 : i32
      %dma_wait3A_55 = tpu.memref_slice %arg3[%add3A, %dma_wait3A_53, %dma_wait3A_54] : memref<32x256x256xf32, #tpu.memory_space<hbm>> -> memref<1x256x256xf32, #tpu.memory_space<hbm>>
      %dma_wait3A_56 = tpu.memref_squeeze %dma_wait3A_55 : memref<1x256x256xf32, #tpu.memory_space<hbm>> -> memref<256x256xf32, #tpu.memory_space<hbm>>
      tpu.wait_dma2 semaphore(%run_scoped3A : memref<!tpu.dma_semaphore, #tpu.memory_space<semaphore_mem>>) src(%arg6 : memref<256x256xf32, #tpu.memory_space<vmem>>) dst(%dma_wait3A_56 : memref<256x256xf32, #tpu.memory_space<hbm>>)
      tpu.yield
    }) : () -> ()
    return
  }
}

module attributes {stable_mosaic.version = 14 : i64} {
  func.func @_graph_body(%arg0: i32, %arg1: memref<2048x128xf32, #tpu.memory_space<vmem>>, %arg2: memref<8x256x256xf32, #tpu.memory_space<vmem>>, %arg3: memref<8x128xf32, #tpu.memory_space<vmem>>, %arg4: memref<128x256xf32, #tpu.memory_space<vmem>>, %arg5: memref<1x256xf32, #tpu.memory_space<vmem>>, %arg6: memref<256x256xf32, #tpu.memory_space<vmem>>, %arg7: memref<1x256xf32, #tpu.memory_space<vmem>>, %arg8: memref<32x128xf32, #tpu.memory_space<vmem>>, %arg9: memref<128x128xf32, #tpu.memory_space<vmem>>, %arg10: memref<1x128xf32, #tpu.memory_space<vmem>>, %arg11: memref<128x128xf32, #tpu.memory_space<vmem>>, %arg12: memref<1x128xf32, #tpu.memory_space<vmem>>, %arg13: memref<32x128xf32, #tpu.memory_space<vmem>>, %arg14: memref<32x128xf32, #tpu.memory_space<vmem>>, %arg15: memref<32x128xf32, #tpu.memory_space<vmem>>, %arg16: memref<32x256xf32, #tpu.memory_space<vmem>>) attributes {dimension_semantics = [#tpu.dimension_semantics<arbitrary>], iteration_bounds = array<i64: 4>, scalar_prefetch = 0 : i64, scratch_operands = 1 : i64, tpu.core_type = #tpu.core_type<tc>, window_params = [{transform_indices = @transform_0, window_bounds = array<i64: 2048, 128>}, {transform_indices = @transform_1, window_bounds = array<i64: 8, 256, 256>}, {pipeline_mode = #tpu.pipeline_mode<synchronous>, transform_indices = @transform_2, window_bounds = array<i64: 8, 128>}, {pipeline_mode = #tpu.pipeline_mode<synchronous>, transform_indices = @transform_3, window_bounds = array<i64: 128, 256>}, {pipeline_mode = #tpu.pipeline_mode<synchronous>, transform_indices = @transform_4, window_bounds = array<i64: 1, 256>}, {pipeline_mode = #tpu.pipeline_mode<synchronous>, transform_indices = @transform_5, window_bounds = array<i64: 256, 256>}, {pipeline_mode = #tpu.pipeline_mode<synchronous>, transform_indices = @transform_6, window_bounds = array<i64: 1, 256>}, {pipeline_mode = #tpu.pipeline_mode<synchronous>, transform_indices = @transform_7, window_bounds = array<i64: 32, 128>}, {pipeline_mode = #tpu.pipeline_mode<synchronous>, transform_indices = @transform_8, window_bounds = array<i64: 128, 128>}, {pipeline_mode = #tpu.pipeline_mode<synchronous>, transform_indices = @transform_9, window_bounds = array<i64: 1, 128>}, {pipeline_mode = #tpu.pipeline_mode<synchronous>, transform_indices = @transform_10, window_bounds = array<i64: 128, 128>}, {pipeline_mode = #tpu.pipeline_mode<synchronous>, transform_indices = @transform_11, window_bounds = array<i64: 1, 128>}, {pipeline_mode = #tpu.pipeline_mode<synchronous>, transform_indices = @transform_12, window_bounds = array<i64: 32, 128>}, {pipeline_mode = #tpu.pipeline_mode<synchronous>, transform_indices = @transform_13, window_bounds = array<i64: 32, 128>}, {pipeline_mode = #tpu.pipeline_mode<synchronous>, transform_indices = @transform_14, window_bounds = array<i64: 32, 128>}]} {
    %get3A = arith.constant 0 : index
    %get3A_0 = arith.constant 0 : index
    %get3A_1 = vector.load %arg1[%get3A, %get3A_0] : memref<2048x128xf32, #tpu.memory_space<vmem>>, vector<256x128xf32>
    %get3A_2 = arith.constant 0 : index
    %get3A_3 = arith.constant 0 : index
    %get3A_4 = arith.constant 0 : index
    %get3A_5 = vector.load %arg2[%get3A_2, %get3A_3, %get3A_4] : memref<8x256x256xf32, #tpu.memory_space<vmem>>, vector<1x256x256xf32>
    %get3A_6 = vector.shape_cast %get3A_5 : vector<1x256x256xf32> to vector<256x256xf32>
    %get3A_7 = arith.constant 0 : index
    %get3A_8 = arith.constant 0 : index
    %get3A_9 = vector.load %arg3[%get3A_7, %get3A_8] : memref<8x128xf32, #tpu.memory_space<vmem>>, vector<1x128xf32>
    %mul3A = vector.broadcast %get3A_9 : vector<1x128xf32> to vector<256x128xf32>
    %mul3A_10 = arith.mulf %get3A_1, %mul3A : vector<256x128xf32>
    %mul3A_11 = arith.mulf %mul3A_10, %mul3A_10 : vector<256x128xf32>
    %reduce_sum3A = arith.constant dense<0.000000e+00> : vector<256xf32>
    %reduce_sum3A_12 = vector.multi_reduction <add>, %mul3A_11, %reduce_sum3A [1] : vector<256x128xf32> to vector<256xf32>
    %broadcast_in_dim3A = vector.shape_cast %reduce_sum3A_12 : vector<256xf32> to vector<256x1xf32>
    %rsqrt3A = math.rsqrt %broadcast_in_dim3A : vector<256x1xf32>
    %mul3A_13 = vector.broadcast %rsqrt3A : vector<256x1xf32> to vector<256x128xf32>
    %mul3A_14 = arith.mulf %mul3A_10, %mul3A_13 : vector<256x128xf32>
    %get3A_15 = arith.constant 1 : index
    %get3A_16 = arith.constant 0 : index
    %get3A_17 = vector.load %arg3[%get3A_15, %get3A_16] : memref<8x128xf32, #tpu.memory_space<vmem>>, vector<1x128xf32>
    %mul3A_18 = vector.broadcast %get3A_17 : vector<1x128xf32> to vector<256x128xf32>
    %mul3A_19 = arith.mulf %get3A_1, %mul3A_18 : vector<256x128xf32>
    %mul3A_20 = arith.mulf %mul3A_19, %mul3A_19 : vector<256x128xf32>
    %reduce_sum3A_21 = arith.constant dense<0.000000e+00> : vector<256xf32>
    %reduce_sum3A_22 = vector.multi_reduction <add>, %mul3A_20, %reduce_sum3A_21 [1] : vector<256x128xf32> to vector<256xf32>
    %broadcast_in_dim3A_23 = vector.shape_cast %reduce_sum3A_22 : vector<256xf32> to vector<256x1xf32>
    %rsqrt3A_24 = math.rsqrt %broadcast_in_dim3A_23 : vector<256x1xf32>
    %mul3A_25 = vector.broadcast %rsqrt3A_24 : vector<256x1xf32> to vector<256x128xf32>
    %mul3A_26 = arith.mulf %mul3A_19, %mul3A_25 : vector<256x128xf32>
    %get3A_27 = arith.constant 2 : index
    %get3A_28 = arith.constant 0 : index
    %get3A_29 = vector.load %arg3[%get3A_27, %get3A_28] : memref<8x128xf32, #tpu.memory_space<vmem>>, vector<1x128xf32>
    %mul3A_30 = vector.broadcast %get3A_29 : vector<1x128xf32> to vector<256x128xf32>
    %mul3A_31 = arith.mulf %get3A_1, %mul3A_30 : vector<256x128xf32>
    %mul3A_32 = arith.mulf %mul3A_31, %mul3A_31 : vector<256x128xf32>
    %reduce_sum3A_33 = arith.constant dense<0.000000e+00> : vector<256xf32>
    %reduce_sum3A_34 = vector.multi_reduction <add>, %mul3A_32, %reduce_sum3A_33 [1] : vector<256x128xf32> to vector<256xf32>
    %broadcast_in_dim3A_35 = vector.shape_cast %reduce_sum3A_34 : vector<256xf32> to vector<256x1xf32>
    %rsqrt3A_36 = math.rsqrt %broadcast_in_dim3A_35 : vector<256x1xf32>
    %mul3A_37 = vector.broadcast %rsqrt3A_36 : vector<256x1xf32> to vector<256x128xf32>
    %mul3A_38 = arith.mulf %mul3A_31, %mul3A_37 : vector<256x128xf32>
    %get3A_39 = arith.constant 3 : index
    %get3A_40 = arith.constant 0 : index
    %get3A_41 = vector.load %arg3[%get3A_39, %get3A_40] : memref<8x128xf32, #tpu.memory_space<vmem>>, vector<1x128xf32>
    %mul3A_42 = vector.broadcast %get3A_41 : vector<1x128xf32> to vector<256x128xf32>
    %mul3A_43 = arith.mulf %get3A_1, %mul3A_42 : vector<256x128xf32>
    %mul3A_44 = arith.mulf %mul3A_43, %mul3A_43 : vector<256x128xf32>
    %reduce_sum3A_45 = arith.constant dense<0.000000e+00> : vector<256xf32>
    %reduce_sum3A_46 = vector.multi_reduction <add>, %mul3A_44, %reduce_sum3A_45 [1] : vector<256x128xf32> to vector<256xf32>
    %broadcast_in_dim3A_47 = vector.shape_cast %reduce_sum3A_46 : vector<256xf32> to vector<256x1xf32>
    %rsqrt3A_48 = math.rsqrt %broadcast_in_dim3A_47 : vector<256x1xf32>
    %mul3A_49 = vector.broadcast %rsqrt3A_48 : vector<256x1xf32> to vector<256x128xf32>
    %mul3A_50 = arith.mulf %mul3A_43, %mul3A_49 : vector<256x128xf32>
    %concatenate3A = tpu.concatenate %mul3A_14, %mul3A_26, %mul3A_38, %mul3A_50 in 1 : vector<256x128xf32>, vector<256x128xf32>, vector<256x128xf32>, vector<256x128xf32> -> vector<256x512xf32>
    %dot_general3A = arith.constant dense<0.000000e+00> : vector<256x256xf32>
    %dot_general3A_51 = tpu.matmul %concatenate3A, %concatenate3A, %dot_general3A {dimension_numbers = #tpu.dot_dimension_numbers<[1], [1], [0], [0], [0, 0, 1, 0], [], []>, transpose_lhs_hint = false} : vector<256x512xf32>, vector<256x512xf32>, vector<256x256xf32> -> vector<256x256xf32>
    %gt3A = arith.constant 0.000000e+00 : f32
    %gt3A_52 = vector.broadcast %gt3A : f32 to vector<256x256xf32>
    %gt3A_53 = arith.cmpf ogt, %get3A_6, %gt3A_52 : vector<256x256xf32>
    %gt3A_54 = arith.constant 1.200000e+00 : f32
    %gt3A_55 = vector.broadcast %gt3A_54 : f32 to vector<256x256xf32>
    %gt3A_56 = arith.cmpf ogt, %dot_general3A_51, %gt3A_55 : vector<256x256xf32>
    %or3A = arith.ori %gt3A_53, %gt3A_56 : vector<256x256xi1>
    %jit3A = arith.constant 1.000000e+00 : f32
    %jit3A_57 = arith.constant 0.000000e+00 : f32
    %broadcast_in_dim3A_58 = vector.broadcast %jit3A : f32 to vector<256x256xf32>
    %broadcast_in_dim3A_59 = vector.broadcast %jit3A_57 : f32 to vector<256x256xf32>
    %select_n3A = arith.select %or3A, %broadcast_in_dim3A_58, %broadcast_in_dim3A_59 : vector<256x256xi1>, vector<256x256xf32>
    %reduce_sum3A_60 = arith.constant dense<0.000000e+00> : vector<256xf32>
    %reduce_sum3A_61 = vector.multi_reduction <add>, %select_n3A, %reduce_sum3A_60 [1] : vector<256x256xf32> to vector<256xf32>
    %broadcast_in_dim3A_62 = vector.shape_cast %reduce_sum3A_61 : vector<256xf32> to vector<256x1xf32>
    %add3A = arith.constant 1.000000e+00 : f32
    %add3A_63 = vector.broadcast %add3A : f32 to vector<256x1xf32>
    %add3A_64 = arith.addf %broadcast_in_dim3A_62, %add3A_63 : vector<256x1xf32>
    %rsqrt3A_65 = math.rsqrt %add3A_64 : vector<256x1xf32>
    %get3A_66 = arith.constant 0 : index
    %get3A_67 = arith.constant 0 : index
    %get3A_68 = vector.load %arg4[%get3A_66, %get3A_67] : memref<128x256xf32, #tpu.memory_space<vmem>>, vector<128x256xf32>
    %dot_general3A_69 = arith.constant dense<0.000000e+00> : vector<256x256xf32>
    %dot_general3A_70 = tpu.matmul %get3A_1, %get3A_68, %dot_general3A_69 {dimension_numbers = #tpu.dot_dimension_numbers<[1], [0], [0], [1], [0, 0, 1, 1], [], []>, transpose_lhs_hint = false} : vector<256x128xf32>, vector<128x256xf32>, vector<256x256xf32> -> vector<256x256xf32>
    %mul3A_71 = vector.broadcast %rsqrt3A_65 : vector<256x1xf32> to vector<256x256xf32>
    %mul3A_72 = arith.mulf %mul3A_71, %dot_general3A_70 : vector<256x256xf32>
    %dot_general3A_73 = arith.constant dense<0.000000e+00> : vector<256x256xf32>
    %dot_general3A_74 = tpu.matmul %select_n3A, %mul3A_72, %dot_general3A_73 {dimension_numbers = #tpu.dot_dimension_numbers<[1], [0], [0], [1], [0, 0, 1, 1], [], []>, transpose_lhs_hint = false} : vector<256x256xf32>, vector<256x256xf32>, vector<256x256xf32> -> vector<256x256xf32>
    %add3A_75 = arith.addf %dot_general3A_74, %mul3A_72 : vector<256x256xf32>
    %mul3A_76 = vector.broadcast %rsqrt3A_65 : vector<256x1xf32> to vector<256x256xf32>
    %mul3A_77 = arith.mulf %mul3A_76, %add3A_75 : vector<256x256xf32>
    %get3A_78 = arith.constant 0 : index
    %get3A_79 = arith.constant 0 : index
    %get3A_80 = vector.load %arg5[%get3A_78, %get3A_79] : memref<1x256xf32, #tpu.memory_space<vmem>>, vector<1x256xf32>
    %add3A_81 = vector.broadcast %get3A_80 : vector<1x256xf32> to vector<256x256xf32>
    %add3A_82 = arith.addf %mul3A_77, %add3A_81 : vector<256x256xf32>
    %max3A = arith.constant 0.000000e+00 : f32
    %max3A_83 = vector.broadcast %max3A : f32 to vector<256x256xf32>
    %max3A_84 = arith.maximumf %add3A_82, %max3A_83 : vector<256x256xf32>
    %get3A_85 = arith.constant 0 : index
    %get3A_86 = arith.constant 0 : index
    %get3A_87 = vector.load %arg6[%get3A_85, %get3A_86] : memref<256x256xf32, #tpu.memory_space<vmem>>, vector<256x256xf32>
    %dot_general3A_88 = arith.constant dense<0.000000e+00> : vector<256x256xf32>
    %dot_general3A_89 = tpu.matmul %max3A_84, %get3A_87, %dot_general3A_88 {dimension_numbers = #tpu.dot_dimension_numbers<[1], [0], [0], [1], [0, 0, 1, 1], [], []>, transpose_lhs_hint = false} : vector<256x256xf32>, vector<256x256xf32>, vector<256x256xf32> -> vector<256x256xf32>
    %mul3A_90 = vector.broadcast %rsqrt3A_65 : vector<256x1xf32> to vector<256x256xf32>
    %mul3A_91 = arith.mulf %mul3A_90, %dot_general3A_89 : vector<256x256xf32>
    %dot_general3A_92 = arith.constant dense<0.000000e+00> : vector<256x256xf32>
    %dot_general3A_93 = tpu.matmul %select_n3A, %mul3A_91, %dot_general3A_92 {dimension_numbers = #tpu.dot_dimension_numbers<[1], [0], [0], [1], [0, 0, 1, 1], [], []>, transpose_lhs_hint = false} : vector<256x256xf32>, vector<256x256xf32>, vector<256x256xf32> -> vector<256x256xf32>
    %add3A_94 = arith.addf %dot_general3A_93, %mul3A_91 : vector<256x256xf32>
    %mul3A_95 = vector.broadcast %rsqrt3A_65 : vector<256x1xf32> to vector<256x256xf32>
    %mul3A_96 = arith.mulf %mul3A_95, %add3A_94 : vector<256x256xf32>
    %get3A_97 = arith.constant 0 : index
    %get3A_98 = arith.constant 0 : index
    %get3A_99 = vector.load %arg7[%get3A_97, %get3A_98] : memref<1x256xf32, #tpu.memory_space<vmem>>, vector<1x256xf32>
    %add3A_100 = vector.broadcast %get3A_99 : vector<1x256xf32> to vector<256x256xf32>
    %add3A_101 = arith.addf %mul3A_96, %add3A_100 : vector<256x256xf32>
    %reduce_sum3A_102 = arith.constant dense<0.000000e+00> : vector<256xf32>
    %reduce_sum3A_103 = vector.multi_reduction <add>, %add3A_101, %reduce_sum3A_102 [0] : vector<256x256xf32> to vector<256xf32>
    %broadcast_in_dim3A_104 = vector.shape_cast %reduce_sum3A_103 : vector<256xf32> to vector<1x256xf32>
    %div3A = arith.constant 2.560000e+02 : f32
    %div3A_105 = vector.broadcast %div3A : f32 to vector<1x256xf32>
    %div3A_106 = arith.divf %broadcast_in_dim3A_104, %div3A_105 : vector<1x256xf32>
    %mul3A_107 = arith.constant 8 : i32
    %mul3A_108 = arith.muli %arg0, %mul3A_107 : i32
    %add3A_109 = arith.constant 0 : i32
    %add3A_110 = arith.addi %mul3A_108, %add3A_109 : i32
    %swap3A = arith.index_cast %add3A_110 : i32 to index
    %swap3A_111 = arith.constant 0 : index
    %swap3A_112 = vector.load %arg16[%swap3A, %swap3A_111] : memref<32x256xf32, #tpu.memory_space<vmem>>, vector<1x256xf32>
    tpu.vector_store %arg16[%swap3A, %swap3A_111], %div3A_106 {strides = array<i32>} : memref<32x256xf32, #tpu.memory_space<vmem>>, vector<1x256xf32>,
    %get3A_113 = arith.constant 256 : index
    %get3A_114 = arith.constant 0 : index
    %get3A_115 = vector.load %arg1[%get3A_113, %get3A_114] : memref<2048x128xf32, #tpu.memory_space<vmem>>, vector<256x128xf32>
    %get3A_116 = arith.constant 1 : index
    %get3A_117 = arith.constant 0 : index
    %get3A_118 = arith.constant 0 : index
    %get3A_119 = vector.load %arg2[%get3A_116, %get3A_117, %get3A_118] : memref<8x256x256xf32, #tpu.memory_space<vmem>>, vector<1x256x256xf32>
    %get3A_120 = vector.shape_cast %get3A_119 : vector<1x256x256xf32> to vector<256x256xf32>
    %get3A_121 = arith.constant 0 : index
    %get3A_122 = arith.constant 0 : index
    %get3A_123 = vector.load %arg3[%get3A_121, %get3A_122] : memref<8x128xf32, #tpu.memory_space<vmem>>, vector<1x128xf32>
    %mul3A_124 = vector.broadcast %get3A_123 : vector<1x128xf32> to vector<256x128xf32>
    %mul3A_125 = arith.mulf %get3A_115, %mul3A_124 : vector<256x128xf32>
    %mul3A_126 = arith.mulf %mul3A_125, %mul3A_125 : vector<256x128xf32>
    %reduce_sum3A_127 = arith.constant dense<0.000000e+00> : vector<256xf32>
    %reduce_sum3A_128 = vector.multi_reduction <add>, %mul3A_126, %reduce_sum3A_127 [1] : vector<256x128xf32> to vector<256xf32>
    %broadcast_in_dim3A_129 = vector.shape_cast %reduce_sum3A_128 : vector<256xf32> to vector<256x1xf32>
    %rsqrt3A_130 = math.rsqrt %broadcast_in_dim3A_129 : vector<256x1xf32>
    %mul3A_131 = vector.broadcast %rsqrt3A_130 : vector<256x1xf32> to vector<256x128xf32>
    %mul3A_132 = arith.mulf %mul3A_125, %mul3A_131 : vector<256x128xf32>
    %get3A_133 = arith.constant 1 : index
    %get3A_134 = arith.constant 0 : index
    %get3A_135 = vector.load %arg3[%get3A_133, %get3A_134] : memref<8x128xf32, #tpu.memory_space<vmem>>, vector<1x128xf32>
    %mul3A_136 = vector.broadcast %get3A_135 : vector<1x128xf32> to vector<256x128xf32>
    %mul3A_137 = arith.mulf %get3A_115, %mul3A_136 : vector<256x128xf32>
    %mul3A_138 = arith.mulf %mul3A_137, %mul3A_137 : vector<256x128xf32>
    %reduce_sum3A_139 = arith.constant dense<0.000000e+00> : vector<256xf32>
    %reduce_sum3A_140 = vector.multi_reduction <add>, %mul3A_138, %reduce_sum3A_139 [1] : vector<256x128xf32> to vector<256xf32>
    %broadcast_in_dim3A_141 = vector.shape_cast %reduce_sum3A_140 : vector<256xf32> to vector<256x1xf32>
    %rsqrt3A_142 = math.rsqrt %broadcast_in_dim3A_141 : vector<256x1xf32>
    %mul3A_143 = vector.broadcast %rsqrt3A_142 : vector<256x1xf32> to vector<256x128xf32>
    %mul3A_144 = arith.mulf %mul3A_137, %mul3A_143 : vector<256x128xf32>
    %get3A_145 = arith.constant 2 : index
    %get3A_146 = arith.constant 0 : index
    %get3A_147 = vector.load %arg3[%get3A_145, %get3A_146] : memref<8x128xf32, #tpu.memory_space<vmem>>, vector<1x128xf32>
    %mul3A_148 = vector.broadcast %get3A_147 : vector<1x128xf32> to vector<256x128xf32>
    %mul3A_149 = arith.mulf %get3A_115, %mul3A_148 : vector<256x128xf32>
    %mul3A_150 = arith.mulf %mul3A_149, %mul3A_149 : vector<256x128xf32>
    %reduce_sum3A_151 = arith.constant dense<0.000000e+00> : vector<256xf32>
    %reduce_sum3A_152 = vector.multi_reduction <add>, %mul3A_150, %reduce_sum3A_151 [1] : vector<256x128xf32> to vector<256xf32>
    %broadcast_in_dim3A_153 = vector.shape_cast %reduce_sum3A_152 : vector<256xf32> to vector<256x1xf32>
    %rsqrt3A_154 = math.rsqrt %broadcast_in_dim3A_153 : vector<256x1xf32>
    %mul3A_155 = vector.broadcast %rsqrt3A_154 : vector<256x1xf32> to vector<256x128xf32>
    %mul3A_156 = arith.mulf %mul3A_149, %mul3A_155 : vector<256x128xf32>
    %get3A_157 = arith.constant 3 : index
    %get3A_158 = arith.constant 0 : index
    %get3A_159 = vector.load %arg3[%get3A_157, %get3A_158] : memref<8x128xf32, #tpu.memory_space<vmem>>, vector<1x128xf32>
    %mul3A_160 = vector.broadcast %get3A_159 : vector<1x128xf32> to vector<256x128xf32>
    %mul3A_161 = arith.mulf %get3A_115, %mul3A_160 : vector<256x128xf32>
    %mul3A_162 = arith.mulf %mul3A_161, %mul3A_161 : vector<256x128xf32>
    %reduce_sum3A_163 = arith.constant dense<0.000000e+00> : vector<256xf32>
    %reduce_sum3A_164 = vector.multi_reduction <add>, %mul3A_162, %reduce_sum3A_163 [1] : vector<256x128xf32> to vector<256xf32>
    %broadcast_in_dim3A_165 = vector.shape_cast %reduce_sum3A_164 : vector<256xf32> to vector<256x1xf32>
    %rsqrt3A_166 = math.rsqrt %broadcast_in_dim3A_165 : vector<256x1xf32>
    %mul3A_167 = vector.broadcast %rsqrt3A_166 : vector<256x1xf32> to vector<256x128xf32>
    %mul3A_168 = arith.mulf %mul3A_161, %mul3A_167 : vector<256x128xf32>
    %concatenate3A_169 = tpu.concatenate %mul3A_132, %mul3A_144, %mul3A_156, %mul3A_168 in 1 : vector<256x128xf32>, vector<256x128xf32>, vector<256x128xf32>, vector<256x128xf32> -> vector<256x512xf32>
    %dot_general3A_170 = arith.constant dense<0.000000e+00> : vector<256x256xf32>
    %dot_general3A_171 = tpu.matmul %concatenate3A_169, %concatenate3A_169, %dot_general3A_170 {dimension_numbers = #tpu.dot_dimension_numbers<[1], [1], [0], [0], [0, 0, 1, 0], [], []>, transpose_lhs_hint = false} : vector<256x512xf32>, vector<256x512xf32>, vector<256x256xf32> -> vector<256x256xf32>
    %gt3A_172 = arith.constant 0.000000e+00 : f32
    %gt3A_173 = vector.broadcast %gt3A_172 : f32 to vector<256x256xf32>
    %gt3A_174 = arith.cmpf ogt, %get3A_120, %gt3A_173 : vector<256x256xf32>
    %gt3A_175 = arith.constant 1.200000e+00 : f32
    %gt3A_176 = vector.broadcast %gt3A_175 : f32 to vector<256x256xf32>
    %gt3A_177 = arith.cmpf ogt, %dot_general3A_171, %gt3A_176 : vector<256x256xf32>
    %or3A_178 = arith.ori %gt3A_174, %gt3A_177 : vector<256x256xi1>
    %jit3A_179 = arith.constant 1.000000e+00 : f32
    %jit3A_180 = arith.constant 0.000000e+00 : f32
    %broadcast_in_dim3A_181 = vector.broadcast %jit3A_179 : f32 to vector<256x256xf32>
    %broadcast_in_dim3A_182 = vector.broadcast %jit3A_180 : f32 to vector<256x256xf32>
    %select_n3A_183 = arith.select %or3A_178, %broadcast_in_dim3A_181, %broadcast_in_dim3A_182 : vector<256x256xi1>, vector<256x256xf32>
    %reduce_sum3A_184 = arith.constant dense<0.000000e+00> : vector<256xf32>
    %reduce_sum3A_185 = vector.multi_reduction <add>, %select_n3A_183, %reduce_sum3A_184 [1] : vector<256x256xf32> to vector<256xf32>
    %broadcast_in_dim3A_186 = vector.shape_cast %reduce_sum3A_185 : vector<256xf32> to vector<256x1xf32>
    %add3A_187 = arith.constant 1.000000e+00 : f32
    %add3A_188 = vector.broadcast %add3A_187 : f32 to vector<256x1xf32>
    %add3A_189 = arith.addf %broadcast_in_dim3A_186, %add3A_188 : vector<256x1xf32>
    %rsqrt3A_190 = math.rsqrt %add3A_189 : vector<256x1xf32>
    %get3A_191 = arith.constant 0 : index
    %get3A_192 = arith.constant 0 : index
    %get3A_193 = vector.load %arg4[%get3A_191, %get3A_192] : memref<128x256xf32, #tpu.memory_space<vmem>>, vector<128x256xf32>
    %dot_general3A_194 = arith.constant dense<0.000000e+00> : vector<256x256xf32>
    %dot_general3A_195 = tpu.matmul %get3A_115, %get3A_193, %dot_general3A_194 {dimension_numbers = #tpu.dot_dimension_numbers<[1], [0], [0], [1], [0, 0, 1, 1], [], []>, transpose_lhs_hint = false} : vector<256x128xf32>, vector<128x256xf32>, vector<256x256xf32> -> vector<256x256xf32>
    %mul3A_196 = vector.broadcast %rsqrt3A_190 : vector<256x1xf32> to vector<256x256xf32>
    %mul3A_197 = arith.mulf %mul3A_196, %dot_general3A_195 : vector<256x256xf32>
    %dot_general3A_198 = arith.constant dense<0.000000e+00> : vector<256x256xf32>
    %dot_general3A_199 = tpu.matmul %select_n3A_183, %mul3A_197, %dot_general3A_198 {dimension_numbers = #tpu.dot_dimension_numbers<[1], [0], [0], [1], [0, 0, 1, 1], [], []>, transpose_lhs_hint = false} : vector<256x256xf32>, vector<256x256xf32>, vector<256x256xf32> -> vector<256x256xf32>
    %add3A_200 = arith.addf %dot_general3A_199, %mul3A_197 : vector<256x256xf32>
    %mul3A_201 = vector.broadcast %rsqrt3A_190 : vector<256x1xf32> to vector<256x256xf32>
    %mul3A_202 = arith.mulf %mul3A_201, %add3A_200 : vector<256x256xf32>
    %get3A_203 = arith.constant 0 : index
    %get3A_204 = arith.constant 0 : index
    %get3A_205 = vector.load %arg5[%get3A_203, %get3A_204] : memref<1x256xf32, #tpu.memory_space<vmem>>, vector<1x256xf32>
    %add3A_206 = vector.broadcast %get3A_205 : vector<1x256xf32> to vector<256x256xf32>
    %add3A_207 = arith.addf %mul3A_202, %add3A_206 : vector<256x256xf32>
    %max3A_208 = arith.constant 0.000000e+00 : f32
    %max3A_209 = vector.broadcast %max3A_208 : f32 to vector<256x256xf32>
    %max3A_210 = arith.maximumf %add3A_207, %max3A_209 : vector<256x256xf32>
    %get3A_211 = arith.constant 0 : index
    %get3A_212 = arith.constant 0 : index
    %get3A_213 = vector.load %arg6[%get3A_211, %get3A_212] : memref<256x256xf32, #tpu.memory_space<vmem>>, vector<256x256xf32>
    %dot_general3A_214 = arith.constant dense<0.000000e+00> : vector<256x256xf32>
    %dot_general3A_215 = tpu.matmul %max3A_210, %get3A_213, %dot_general3A_214 {dimension_numbers = #tpu.dot_dimension_numbers<[1], [0], [0], [1], [0, 0, 1, 1], [], []>, transpose_lhs_hint = false} : vector<256x256xf32>, vector<256x256xf32>, vector<256x256xf32> -> vector<256x256xf32>
    %mul3A_216 = vector.broadcast %rsqrt3A_190 : vector<256x1xf32> to vector<256x256xf32>
    %mul3A_217 = arith.mulf %mul3A_216, %dot_general3A_215 : vector<256x256xf32>
    %dot_general3A_218 = arith.constant dense<0.000000e+00> : vector<256x256xf32>
    %dot_general3A_219 = tpu.matmul %select_n3A_183, %mul3A_217, %dot_general3A_218 {dimension_numbers = #tpu.dot_dimension_numbers<[1], [0], [0], [1], [0, 0, 1, 1], [], []>, transpose_lhs_hint = false} : vector<256x256xf32>, vector<256x256xf32>, vector<256x256xf32> -> vector<256x256xf32>
    %add3A_220 = arith.addf %dot_general3A_219, %mul3A_217 : vector<256x256xf32>
    %mul3A_221 = vector.broadcast %rsqrt3A_190 : vector<256x1xf32> to vector<256x256xf32>
    %mul3A_222 = arith.mulf %mul3A_221, %add3A_220 : vector<256x256xf32>
    %get3A_223 = arith.constant 0 : index
    %get3A_224 = arith.constant 0 : index
    %get3A_225 = vector.load %arg7[%get3A_223, %get3A_224] : memref<1x256xf32, #tpu.memory_space<vmem>>, vector<1x256xf32>
    %add3A_226 = vector.broadcast %get3A_225 : vector<1x256xf32> to vector<256x256xf32>
    %add3A_227 = arith.addf %mul3A_222, %add3A_226 : vector<256x256xf32>
    %reduce_sum3A_228 = arith.constant dense<0.000000e+00> : vector<256xf32>
    %reduce_sum3A_229 = vector.multi_reduction <add>, %add3A_227, %reduce_sum3A_228 [0] : vector<256x256xf32> to vector<256xf32>
    %broadcast_in_dim3A_230 = vector.shape_cast %reduce_sum3A_229 : vector<256xf32> to vector<1x256xf32>
    %div3A_231 = arith.constant 2.560000e+02 : f32
    %div3A_232 = vector.broadcast %div3A_231 : f32 to vector<1x256xf32>
    %div3A_233 = arith.divf %broadcast_in_dim3A_230, %div3A_232 : vector<1x256xf32>
    %mul3A_234 = arith.constant 8 : i32
    %mul3A_235 = arith.muli %arg0, %mul3A_234 : i32
    %add3A_236 = arith.constant 1 : i32
    %add3A_237 = arith.addi %mul3A_235, %add3A_236 : i32
    %swap3A_238 = arith.index_cast %add3A_237 : i32 to index
    %swap3A_239 = arith.constant 0 : index
    %swap3A_240 = vector.load %arg16[%swap3A_238, %swap3A_239] : memref<32x256xf32, #tpu.memory_space<vmem>>, vector<1x256xf32>
    tpu.vector_store %arg16[%swap3A_238, %swap3A_239], %div3A_233 {strides = array<i32>} : memref<32x256xf32, #tpu.memory_space<vmem>>, vector<1x256xf32>,
    %get3A_241 = arith.constant 512 : index
    %get3A_242 = arith.constant 0 : index
    %get3A_243 = vector.load %arg1[%get3A_241, %get3A_242] : memref<2048x128xf32, #tpu.memory_space<vmem>>, vector<256x128xf32>
    %get3A_244 = arith.constant 2 : index
    %get3A_245 = arith.constant 0 : index
    %get3A_246 = arith.constant 0 : index
    %get3A_247 = vector.load %arg2[%get3A_244, %get3A_245, %get3A_246] : memref<8x256x256xf32, #tpu.memory_space<vmem>>, vector<1x256x256xf32>
    %get3A_248 = vector.shape_cast %get3A_247 : vector<1x256x256xf32> to vector<256x256xf32>
    %get3A_249 = arith.constant 0 : index
    %get3A_250 = arith.constant 0 : index
    %get3A_251 = vector.load %arg3[%get3A_249, %get3A_250] : memref<8x128xf32, #tpu.memory_space<vmem>>, vector<1x128xf32>
    %mul3A_252 = vector.broadcast %get3A_251 : vector<1x128xf32> to vector<256x128xf32>
    %mul3A_253 = arith.mulf %get3A_243, %mul3A_252 : vector<256x128xf32>
    %mul3A_254 = arith.mulf %mul3A_253, %mul3A_253 : vector<256x128xf32>
    %reduce_sum3A_255 = arith.constant dense<0.000000e+00> : vector<256xf32>
    %reduce_sum3A_256 = vector.multi_reduction <add>, %mul3A_254, %reduce_sum3A_255 [1] : vector<256x128xf32> to vector<256xf32>
    %broadcast_in_dim3A_257 = vector.shape_cast %reduce_sum3A_256 : vector<256xf32> to vector<256x1xf32>
    %rsqrt3A_258 = math.rsqrt %broadcast_in_dim3A_257 : vector<256x1xf32>
    %mul3A_259 = vector.broadcast %rsqrt3A_258 : vector<256x1xf32> to vector<256x128xf32>
    %mul3A_260 = arith.mulf %mul3A_253, %mul3A_259 : vector<256x128xf32>
    %get3A_261 = arith.constant 1 : index
    %get3A_262 = arith.constant 0 : index
    %get3A_263 = vector.load %arg3[%get3A_261, %get3A_262] : memref<8x128xf32, #tpu.memory_space<vmem>>, vector<1x128xf32>
    %mul3A_264 = vector.broadcast %get3A_263 : vector<1x128xf32> to vector<256x128xf32>
    %mul3A_265 = arith.mulf %get3A_243, %mul3A_264 : vector<256x128xf32>
    %mul3A_266 = arith.mulf %mul3A_265, %mul3A_265 : vector<256x128xf32>
    %reduce_sum3A_267 = arith.constant dense<0.000000e+00> : vector<256xf32>
    %reduce_sum3A_268 = vector.multi_reduction <add>, %mul3A_266, %reduce_sum3A_267 [1] : vector<256x128xf32> to vector<256xf32>
    %broadcast_in_dim3A_269 = vector.shape_cast %reduce_sum3A_268 : vector<256xf32> to vector<256x1xf32>
    %rsqrt3A_270 = math.rsqrt %broadcast_in_dim3A_269 : vector<256x1xf32>
    %mul3A_271 = vector.broadcast %rsqrt3A_270 : vector<256x1xf32> to vector<256x128xf32>
    %mul3A_272 = arith.mulf %mul3A_265, %mul3A_271 : vector<256x128xf32>
    %get3A_273 = arith.constant 2 : index
    %get3A_274 = arith.constant 0 : index
    %get3A_275 = vector.load %arg3[%get3A_273, %get3A_274] : memref<8x128xf32, #tpu.memory_space<vmem>>, vector<1x128xf32>
    %mul3A_276 = vector.broadcast %get3A_275 : vector<1x128xf32> to vector<256x128xf32>
    %mul3A_277 = arith.mulf %get3A_243, %mul3A_276 : vector<256x128xf32>
    %mul3A_278 = arith.mulf %mul3A_277, %mul3A_277 : vector<256x128xf32>
    %reduce_sum3A_279 = arith.constant dense<0.000000e+00> : vector<256xf32>
    %reduce_sum3A_280 = vector.multi_reduction <add>, %mul3A_278, %reduce_sum3A_279 [1] : vector<256x128xf32> to vector<256xf32>
    %broadcast_in_dim3A_281 = vector.shape_cast %reduce_sum3A_280 : vector<256xf32> to vector<256x1xf32>
    %rsqrt3A_282 = math.rsqrt %broadcast_in_dim3A_281 : vector<256x1xf32>
    %mul3A_283 = vector.broadcast %rsqrt3A_282 : vector<256x1xf32> to vector<256x128xf32>
    %mul3A_284 = arith.mulf %mul3A_277, %mul3A_283 : vector<256x128xf32>
    %get3A_285 = arith.constant 3 : index
    %get3A_286 = arith.constant 0 : index
    %get3A_287 = vector.load %arg3[%get3A_285, %get3A_286] : memref<8x128xf32, #tpu.memory_space<vmem>>, vector<1x128xf32>
    %mul3A_288 = vector.broadcast %get3A_287 : vector<1x128xf32> to vector<256x128xf32>
    %mul3A_289 = arith.mulf %get3A_243, %mul3A_288 : vector<256x128xf32>
    %mul3A_290 = arith.mulf %mul3A_289, %mul3A_289 : vector<256x128xf32>
    %reduce_sum3A_291 = arith.constant dense<0.000000e+00> : vector<256xf32>
    %reduce_sum3A_292 = vector.multi_reduction <add>, %mul3A_290, %reduce_sum3A_291 [1] : vector<256x128xf32> to vector<256xf32>
    %broadcast_in_dim3A_293 = vector.shape_cast %reduce_sum3A_292 : vector<256xf32> to vector<256x1xf32>
    %rsqrt3A_294 = math.rsqrt %broadcast_in_dim3A_293 : vector<256x1xf32>
    %mul3A_295 = vector.broadcast %rsqrt3A_294 : vector<256x1xf32> to vector<256x128xf32>
    %mul3A_296 = arith.mulf %mul3A_289, %mul3A_295 : vector<256x128xf32>
    %concatenate3A_297 = tpu.concatenate %mul3A_260, %mul3A_272, %mul3A_284, %mul3A_296 in 1 : vector<256x128xf32>, vector<256x128xf32>, vector<256x128xf32>, vector<256x128xf32> -> vector<256x512xf32>
    %dot_general3A_298 = arith.constant dense<0.000000e+00> : vector<256x256xf32>
    %dot_general3A_299 = tpu.matmul %concatenate3A_297, %concatenate3A_297, %dot_general3A_298 {dimension_numbers = #tpu.dot_dimension_numbers<[1], [1], [0], [0], [0, 0, 1, 0], [], []>, transpose_lhs_hint = false} : vector<256x512xf32>, vector<256x512xf32>, vector<256x256xf32> -> vector<256x256xf32>
    %gt3A_300 = arith.constant 0.000000e+00 : f32
    %gt3A_301 = vector.broadcast %gt3A_300 : f32 to vector<256x256xf32>
    %gt3A_302 = arith.cmpf ogt, %get3A_248, %gt3A_301 : vector<256x256xf32>
    %gt3A_303 = arith.constant 1.200000e+00 : f32
    %gt3A_304 = vector.broadcast %gt3A_303 : f32 to vector<256x256xf32>
    %gt3A_305 = arith.cmpf ogt, %dot_general3A_299, %gt3A_304 : vector<256x256xf32>
    %or3A_306 = arith.ori %gt3A_302, %gt3A_305 : vector<256x256xi1>
    %jit3A_307 = arith.constant 1.000000e+00 : f32
    %jit3A_308 = arith.constant 0.000000e+00 : f32
    %broadcast_in_dim3A_309 = vector.broadcast %jit3A_307 : f32 to vector<256x256xf32>
    %broadcast_in_dim3A_310 = vector.broadcast %jit3A_308 : f32 to vector<256x256xf32>
    %select_n3A_311 = arith.select %or3A_306, %broadcast_in_dim3A_309, %broadcast_in_dim3A_310 : vector<256x256xi1>, vector<256x256xf32>
    %reduce_sum3A_312 = arith.constant dense<0.000000e+00> : vector<256xf32>
    %reduce_sum3A_313 = vector.multi_reduction <add>, %select_n3A_311, %reduce_sum3A_312 [1] : vector<256x256xf32> to vector<256xf32>
    %broadcast_in_dim3A_314 = vector.shape_cast %reduce_sum3A_313 : vector<256xf32> to vector<256x1xf32>
    %add3A_315 = arith.constant 1.000000e+00 : f32
    %add3A_316 = vector.broadcast %add3A_315 : f32 to vector<256x1xf32>
    %add3A_317 = arith.addf %broadcast_in_dim3A_314, %add3A_316 : vector<256x1xf32>
    %rsqrt3A_318 = math.rsqrt %add3A_317 : vector<256x1xf32>
    %get3A_319 = arith.constant 0 : index
    %get3A_320 = arith.constant 0 : index
    %get3A_321 = vector.load %arg4[%get3A_319, %get3A_320] : memref<128x256xf32, #tpu.memory_space<vmem>>, vector<128x256xf32>
    %dot_general3A_322 = arith.constant dense<0.000000e+00> : vector<256x256xf32>
    %dot_general3A_323 = tpu.matmul %get3A_243, %get3A_321, %dot_general3A_322 {dimension_numbers = #tpu.dot_dimension_numbers<[1], [0], [0], [1], [0, 0, 1, 1], [], []>, transpose_lhs_hint = false} : vector<256x128xf32>, vector<128x256xf32>, vector<256x256xf32> -> vector<256x256xf32>
    %mul3A_324 = vector.broadcast %rsqrt3A_318 : vector<256x1xf32> to vector<256x256xf32>
    %mul3A_325 = arith.mulf %mul3A_324, %dot_general3A_323 : vector<256x256xf32>
    %dot_general3A_326 = arith.constant dense<0.000000e+00> : vector<256x256xf32>
    %dot_general3A_327 = tpu.matmul %select_n3A_311, %mul3A_325, %dot_general3A_326 {dimension_numbers = #tpu.dot_dimension_numbers<[1], [0], [0], [1], [0, 0, 1, 1], [], []>, transpose_lhs_hint = false} : vector<256x256xf32>, vector<256x256xf32>, vector<256x256xf32> -> vector<256x256xf32>
    %add3A_328 = arith.addf %dot_general3A_327, %mul3A_325 : vector<256x256xf32>
    %mul3A_329 = vector.broadcast %rsqrt3A_318 : vector<256x1xf32> to vector<256x256xf32>
    %mul3A_330 = arith.mulf %mul3A_329, %add3A_328 : vector<256x256xf32>
    %get3A_331 = arith.constant 0 : index
    %get3A_332 = arith.constant 0 : index
    %get3A_333 = vector.load %arg5[%get3A_331, %get3A_332] : memref<1x256xf32, #tpu.memory_space<vmem>>, vector<1x256xf32>
    %add3A_334 = vector.broadcast %get3A_333 : vector<1x256xf32> to vector<256x256xf32>
    %add3A_335 = arith.addf %mul3A_330, %add3A_334 : vector<256x256xf32>
    %max3A_336 = arith.constant 0.000000e+00 : f32
    %max3A_337 = vector.broadcast %max3A_336 : f32 to vector<256x256xf32>
    %max3A_338 = arith.maximumf %add3A_335, %max3A_337 : vector<256x256xf32>
    %get3A_339 = arith.constant 0 : index
    %get3A_340 = arith.constant 0 : index
    %get3A_341 = vector.load %arg6[%get3A_339, %get3A_340] : memref<256x256xf32, #tpu.memory_space<vmem>>, vector<256x256xf32>
    %dot_general3A_342 = arith.constant dense<0.000000e+00> : vector<256x256xf32>
    %dot_general3A_343 = tpu.matmul %max3A_338, %get3A_341, %dot_general3A_342 {dimension_numbers = #tpu.dot_dimension_numbers<[1], [0], [0], [1], [0, 0, 1, 1], [], []>, transpose_lhs_hint = false} : vector<256x256xf32>, vector<256x256xf32>, vector<256x256xf32> -> vector<256x256xf32>
    %mul3A_344 = vector.broadcast %rsqrt3A_318 : vector<256x1xf32> to vector<256x256xf32>
    %mul3A_345 = arith.mulf %mul3A_344, %dot_general3A_343 : vector<256x256xf32>
    %dot_general3A_346 = arith.constant dense<0.000000e+00> : vector<256x256xf32>
    %dot_general3A_347 = tpu.matmul %select_n3A_311, %mul3A_345, %dot_general3A_346 {dimension_numbers = #tpu.dot_dimension_numbers<[1], [0], [0], [1], [0, 0, 1, 1], [], []>, transpose_lhs_hint = false} : vector<256x256xf32>, vector<256x256xf32>, vector<256x256xf32> -> vector<256x256xf32>
    %add3A_348 = arith.addf %dot_general3A_347, %mul3A_345 : vector<256x256xf32>
    %mul3A_349 = vector.broadcast %rsqrt3A_318 : vector<256x1xf32> to vector<256x256xf32>
    %mul3A_350 = arith.mulf %mul3A_349, %add3A_348 : vector<256x256xf32>
    %get3A_351 = arith.constant 0 : index
    %get3A_352 = arith.constant 0 : index
    %get3A_353 = vector.load %arg7[%get3A_351, %get3A_352] : memref<1x256xf32, #tpu.memory_space<vmem>>, vector<1x256xf32>
    %add3A_354 = vector.broadcast %get3A_353 : vector<1x256xf32> to vector<256x256xf32>
    %add3A_355 = arith.addf %mul3A_350, %add3A_354 : vector<256x256xf32>
    %reduce_sum3A_356 = arith.constant dense<0.000000e+00> : vector<256xf32>
    %reduce_sum3A_357 = vector.multi_reduction <add>, %add3A_355, %reduce_sum3A_356 [0] : vector<256x256xf32> to vector<256xf32>
    %broadcast_in_dim3A_358 = vector.shape_cast %reduce_sum3A_357 : vector<256xf32> to vector<1x256xf32>
    %div3A_359 = arith.constant 2.560000e+02 : f32
    %div3A_360 = vector.broadcast %div3A_359 : f32 to vector<1x256xf32>
    %div3A_361 = arith.divf %broadcast_in_dim3A_358, %div3A_360 : vector<1x256xf32>
    %mul3A_362 = arith.constant 8 : i32
    %mul3A_363 = arith.muli %arg0, %mul3A_362 : i32
    %add3A_364 = arith.constant 2 : i32
    %add3A_365 = arith.addi %mul3A_363, %add3A_364 : i32
    %swap3A_366 = arith.index_cast %add3A_365 : i32 to index
    %swap3A_367 = arith.constant 0 : index
    %swap3A_368 = vector.load %arg16[%swap3A_366, %swap3A_367] : memref<32x256xf32, #tpu.memory_space<vmem>>, vector<1x256xf32>
    tpu.vector_store %arg16[%swap3A_366, %swap3A_367], %div3A_361 {strides = array<i32>} : memref<32x256xf32, #tpu.memory_space<vmem>>, vector<1x256xf32>,
    %get3A_369 = arith.constant 768 : index
    %get3A_370 = arith.constant 0 : index
    %get3A_371 = vector.load %arg1[%get3A_369, %get3A_370] : memref<2048x128xf32, #tpu.memory_space<vmem>>, vector<256x128xf32>
    %get3A_372 = arith.constant 3 : index
    %get3A_373 = arith.constant 0 : index
    %get3A_374 = arith.constant 0 : index
    %get3A_375 = vector.load %arg2[%get3A_372, %get3A_373, %get3A_374] : memref<8x256x256xf32, #tpu.memory_space<vmem>>, vector<1x256x256xf32>
    %get3A_376 = vector.shape_cast %get3A_375 : vector<1x256x256xf32> to vector<256x256xf32>
    %get3A_377 = arith.constant 0 : index
    %get3A_378 = arith.constant 0 : index
    %get3A_379 = vector.load %arg3[%get3A_377, %get3A_378] : memref<8x128xf32, #tpu.memory_space<vmem>>, vector<1x128xf32>
    %mul3A_380 = vector.broadcast %get3A_379 : vector<1x128xf32> to vector<256x128xf32>
    %mul3A_381 = arith.mulf %get3A_371, %mul3A_380 : vector<256x128xf32>
    %mul3A_382 = arith.mulf %mul3A_381, %mul3A_381 : vector<256x128xf32>
    %reduce_sum3A_383 = arith.constant dense<0.000000e+00> : vector<256xf32>
    %reduce_sum3A_384 = vector.multi_reduction <add>, %mul3A_382, %reduce_sum3A_383 [1] : vector<256x128xf32> to vector<256xf32>
    %broadcast_in_dim3A_385 = vector.shape_cast %reduce_sum3A_384 : vector<256xf32> to vector<256x1xf32>
    %rsqrt3A_386 = math.rsqrt %broadcast_in_dim3A_385 : vector<256x1xf32>
    %mul3A_387 = vector.broadcast %rsqrt3A_386 : vector<256x1xf32> to vector<256x128xf32>
    %mul3A_388 = arith.mulf %mul3A_381, %mul3A_387 : vector<256x128xf32>
    %get3A_389 = arith.constant 1 : index
    %get3A_390 = arith.constant 0 : index
    %get3A_391 = vector.load %arg3[%get3A_389, %get3A_390] : memref<8x128xf32, #tpu.memory_space<vmem>>, vector<1x128xf32>
    %mul3A_392 = vector.broadcast %get3A_391 : vector<1x128xf32> to vector<256x128xf32>
    %mul3A_393 = arith.mulf %get3A_371, %mul3A_392 : vector<256x128xf32>
    %mul3A_394 = arith.mulf %mul3A_393, %mul3A_393 : vector<256x128xf32>
    %reduce_sum3A_395 = arith.constant dense<0.000000e+00> : vector<256xf32>
    %reduce_sum3A_396 = vector.multi_reduction <add>, %mul3A_394, %reduce_sum3A_395 [1] : vector<256x128xf32> to vector<256xf32>
    %broadcast_in_dim3A_397 = vector.shape_cast %reduce_sum3A_396 : vector<256xf32> to vector<256x1xf32>
    %rsqrt3A_398 = math.rsqrt %broadcast_in_dim3A_397 : vector<256x1xf32>
    %mul3A_399 = vector.broadcast %rsqrt3A_398 : vector<256x1xf32> to vector<256x128xf32>
    %mul3A_400 = arith.mulf %mul3A_393, %mul3A_399 : vector<256x128xf32>
    %get3A_401 = arith.constant 2 : index
    %get3A_402 = arith.constant 0 : index
    %get3A_403 = vector.load %arg3[%get3A_401, %get3A_402] : memref<8x128xf32, #tpu.memory_space<vmem>>, vector<1x128xf32>
    %mul3A_404 = vector.broadcast %get3A_403 : vector<1x128xf32> to vector<256x128xf32>
    %mul3A_405 = arith.mulf %get3A_371, %mul3A_404 : vector<256x128xf32>
    %mul3A_406 = arith.mulf %mul3A_405, %mul3A_405 : vector<256x128xf32>
    %reduce_sum3A_407 = arith.constant dense<0.000000e+00> : vector<256xf32>
    %reduce_sum3A_408 = vector.multi_reduction <add>, %mul3A_406, %reduce_sum3A_407 [1] : vector<256x128xf32> to vector<256xf32>
    %broadcast_in_dim3A_409 = vector.shape_cast %reduce_sum3A_408 : vector<256xf32> to vector<256x1xf32>
    %rsqrt3A_410 = math.rsqrt %broadcast_in_dim3A_409 : vector<256x1xf32>
    %mul3A_411 = vector.broadcast %rsqrt3A_410 : vector<256x1xf32> to vector<256x128xf32>
    %mul3A_412 = arith.mulf %mul3A_405, %mul3A_411 : vector<256x128xf32>
    %get3A_413 = arith.constant 3 : index
    %get3A_414 = arith.constant 0 : index
    %get3A_415 = vector.load %arg3[%get3A_413, %get3A_414] : memref<8x128xf32, #tpu.memory_space<vmem>>, vector<1x128xf32>
    %mul3A_416 = vector.broadcast %get3A_415 : vector<1x128xf32> to vector<256x128xf32>
    %mul3A_417 = arith.mulf %get3A_371, %mul3A_416 : vector<256x128xf32>
    %mul3A_418 = arith.mulf %mul3A_417, %mul3A_417 : vector<256x128xf32>
    %reduce_sum3A_419 = arith.constant dense<0.000000e+00> : vector<256xf32>
    %reduce_sum3A_420 = vector.multi_reduction <add>, %mul3A_418, %reduce_sum3A_419 [1] : vector<256x128xf32> to vector<256xf32>
    %broadcast_in_dim3A_421 = vector.shape_cast %reduce_sum3A_420 : vector<256xf32> to vector<256x1xf32>
    %rsqrt3A_422 = math.rsqrt %broadcast_in_dim3A_421 : vector<256x1xf32>
    %mul3A_423 = vector.broadcast %rsqrt3A_422 : vector<256x1xf32> to vector<256x128xf32>
    %mul3A_424 = arith.mulf %mul3A_417, %mul3A_423 : vector<256x128xf32>
    %concatenate3A_425 = tpu.concatenate %mul3A_388, %mul3A_400, %mul3A_412, %mul3A_424 in 1 : vector<256x128xf32>, vector<256x128xf32>, vector<256x128xf32>, vector<256x128xf32> -> vector<256x512xf32>
    %dot_general3A_426 = arith.constant dense<0.000000e+00> : vector<256x256xf32>
    %dot_general3A_427 = tpu.matmul %concatenate3A_425, %concatenate3A_425, %dot_general3A_426 {dimension_numbers = #tpu.dot_dimension_numbers<[1], [1], [0], [0], [0, 0, 1, 0], [], []>, transpose_lhs_hint = false} : vector<256x512xf32>, vector<256x512xf32>, vector<256x256xf32> -> vector<256x256xf32>
    %gt3A_428 = arith.constant 0.000000e+00 : f32
    %gt3A_429 = vector.broadcast %gt3A_428 : f32 to vector<256x256xf32>
    %gt3A_430 = arith.cmpf ogt, %get3A_376, %gt3A_429 : vector<256x256xf32>
    %gt3A_431 = arith.constant 1.200000e+00 : f32
    %gt3A_432 = vector.broadcast %gt3A_431 : f32 to vector<256x256xf32>
    %gt3A_433 = arith.cmpf ogt, %dot_general3A_427, %gt3A_432 : vector<256x256xf32>
    %or3A_434 = arith.ori %gt3A_430, %gt3A_433 : vector<256x256xi1>
    %jit3A_435 = arith.constant 1.000000e+00 : f32
    %jit3A_436 = arith.constant 0.000000e+00 : f32
    %broadcast_in_dim3A_437 = vector.broadcast %jit3A_435 : f32 to vector<256x256xf32>
    %broadcast_in_dim3A_438 = vector.broadcast %jit3A_436 : f32 to vector<256x256xf32>
    %select_n3A_439 = arith.select %or3A_434, %broadcast_in_dim3A_437, %broadcast_in_dim3A_438 : vector<256x256xi1>, vector<256x256xf32>
    %reduce_sum3A_440 = arith.constant dense<0.000000e+00> : vector<256xf32>
    %reduce_sum3A_441 = vector.multi_reduction <add>, %select_n3A_439, %reduce_sum3A_440 [1] : vector<256x256xf32> to vector<256xf32>
    %broadcast_in_dim3A_442 = vector.shape_cast %reduce_sum3A_441 : vector<256xf32> to vector<256x1xf32>
    %add3A_443 = arith.constant 1.000000e+00 : f32
    %add3A_444 = vector.broadcast %add3A_443 : f32 to vector<256x1xf32>
    %add3A_445 = arith.addf %broadcast_in_dim3A_442, %add3A_444 : vector<256x1xf32>
    %rsqrt3A_446 = math.rsqrt %add3A_445 : vector<256x1xf32>
    %get3A_447 = arith.constant 0 : index
    %get3A_448 = arith.constant 0 : index
    %get3A_449 = vector.load %arg4[%get3A_447, %get3A_448] : memref<128x256xf32, #tpu.memory_space<vmem>>, vector<128x256xf32>
    %dot_general3A_450 = arith.constant dense<0.000000e+00> : vector<256x256xf32>
    %dot_general3A_451 = tpu.matmul %get3A_371, %get3A_449, %dot_general3A_450 {dimension_numbers = #tpu.dot_dimension_numbers<[1], [0], [0], [1], [0, 0, 1, 1], [], []>, transpose_lhs_hint = false} : vector<256x128xf32>, vector<128x256xf32>, vector<256x256xf32> -> vector<256x256xf32>
    %mul3A_452 = vector.broadcast %rsqrt3A_446 : vector<256x1xf32> to vector<256x256xf32>
    %mul3A_453 = arith.mulf %mul3A_452, %dot_general3A_451 : vector<256x256xf32>
    %dot_general3A_454 = arith.constant dense<0.000000e+00> : vector<256x256xf32>
    %dot_general3A_455 = tpu.matmul %select_n3A_439, %mul3A_453, %dot_general3A_454 {dimension_numbers = #tpu.dot_dimension_numbers<[1], [0], [0], [1], [0, 0, 1, 1], [], []>, transpose_lhs_hint = false} : vector<256x256xf32>, vector<256x256xf32>, vector<256x256xf32> -> vector<256x256xf32>
    %add3A_456 = arith.addf %dot_general3A_455, %mul3A_453 : vector<256x256xf32>
    %mul3A_457 = vector.broadcast %rsqrt3A_446 : vector<256x1xf32> to vector<256x256xf32>
    %mul3A_458 = arith.mulf %mul3A_457, %add3A_456 : vector<256x256xf32>
    %get3A_459 = arith.constant 0 : index
    %get3A_460 = arith.constant 0 : index
    %get3A_461 = vector.load %arg5[%get3A_459, %get3A_460] : memref<1x256xf32, #tpu.memory_space<vmem>>, vector<1x256xf32>
    %add3A_462 = vector.broadcast %get3A_461 : vector<1x256xf32> to vector<256x256xf32>
    %add3A_463 = arith.addf %mul3A_458, %add3A_462 : vector<256x256xf32>
    %max3A_464 = arith.constant 0.000000e+00 : f32
    %max3A_465 = vector.broadcast %max3A_464 : f32 to vector<256x256xf32>
    %max3A_466 = arith.maximumf %add3A_463, %max3A_465 : vector<256x256xf32>
    %get3A_467 = arith.constant 0 : index
    %get3A_468 = arith.constant 0 : index
    %get3A_469 = vector.load %arg6[%get3A_467, %get3A_468] : memref<256x256xf32, #tpu.memory_space<vmem>>, vector<256x256xf32>
    %dot_general3A_470 = arith.constant dense<0.000000e+00> : vector<256x256xf32>
    %dot_general3A_471 = tpu.matmul %max3A_466, %get3A_469, %dot_general3A_470 {dimension_numbers = #tpu.dot_dimension_numbers<[1], [0], [0], [1], [0, 0, 1, 1], [], []>, transpose_lhs_hint = false} : vector<256x256xf32>, vector<256x256xf32>, vector<256x256xf32> -> vector<256x256xf32>
    %mul3A_472 = vector.broadcast %rsqrt3A_446 : vector<256x1xf32> to vector<256x256xf32>
    %mul3A_473 = arith.mulf %mul3A_472, %dot_general3A_471 : vector<256x256xf32>
    %dot_general3A_474 = arith.constant dense<0.000000e+00> : vector<256x256xf32>
    %dot_general3A_475 = tpu.matmul %select_n3A_439, %mul3A_473, %dot_general3A_474 {dimension_numbers = #tpu.dot_dimension_numbers<[1], [0], [0], [1], [0, 0, 1, 1], [], []>, transpose_lhs_hint = false} : vector<256x256xf32>, vector<256x256xf32>, vector<256x256xf32> -> vector<256x256xf32>
    %add3A_476 = arith.addf %dot_general3A_475, %mul3A_473 : vector<256x256xf32>
    %mul3A_477 = vector.broadcast %rsqrt3A_446 : vector<256x1xf32> to vector<256x256xf32>
    %mul3A_478 = arith.mulf %mul3A_477, %add3A_476 : vector<256x256xf32>
    %get3A_479 = arith.constant 0 : index
    %get3A_480 = arith.constant 0 : index
    %get3A_481 = vector.load %arg7[%get3A_479, %get3A_480] : memref<1x256xf32, #tpu.memory_space<vmem>>, vector<1x256xf32>
    %add3A_482 = vector.broadcast %get3A_481 : vector<1x256xf32> to vector<256x256xf32>
    %add3A_483 = arith.addf %mul3A_478, %add3A_482 : vector<256x256xf32>
    %reduce_sum3A_484 = arith.constant dense<0.000000e+00> : vector<256xf32>
    %reduce_sum3A_485 = vector.multi_reduction <add>, %add3A_483, %reduce_sum3A_484 [0] : vector<256x256xf32> to vector<256xf32>
    %broadcast_in_dim3A_486 = vector.shape_cast %reduce_sum3A_485 : vector<256xf32> to vector<1x256xf32>
    %div3A_487 = arith.constant 2.560000e+02 : f32
    %div3A_488 = vector.broadcast %div3A_487 : f32 to vector<1x256xf32>
    %div3A_489 = arith.divf %broadcast_in_dim3A_486, %div3A_488 : vector<1x256xf32>
    %mul3A_490 = arith.constant 8 : i32
    %mul3A_491 = arith.muli %arg0, %mul3A_490 : i32
    %add3A_492 = arith.constant 3 : i32
    %add3A_493 = arith.addi %mul3A_491, %add3A_492 : i32
    %swap3A_494 = arith.index_cast %add3A_493 : i32 to index
    %swap3A_495 = arith.constant 0 : index
    %swap3A_496 = vector.load %arg16[%swap3A_494, %swap3A_495] : memref<32x256xf32, #tpu.memory_space<vmem>>, vector<1x256xf32>
    tpu.vector_store %arg16[%swap3A_494, %swap3A_495], %div3A_489 {strides = array<i32>} : memref<32x256xf32, #tpu.memory_space<vmem>>, vector<1x256xf32>,
    %get3A_497 = arith.constant 1024 : index
    %get3A_498 = arith.constant 0 : index
    %get3A_499 = vector.load %arg1[%get3A_497, %get3A_498] : memref<2048x128xf32, #tpu.memory_space<vmem>>, vector<256x128xf32>
    %get3A_500 = arith.constant 4 : index
    %get3A_501 = arith.constant 0 : index
    %get3A_502 = arith.constant 0 : index
    %get3A_503 = vector.load %arg2[%get3A_500, %get3A_501, %get3A_502] : memref<8x256x256xf32, #tpu.memory_space<vmem>>, vector<1x256x256xf32>
    %get3A_504 = vector.shape_cast %get3A_503 : vector<1x256x256xf32> to vector<256x256xf32>
    %get3A_505 = arith.constant 0 : index
    %get3A_506 = arith.constant 0 : index
    %get3A_507 = vector.load %arg3[%get3A_505, %get3A_506] : memref<8x128xf32, #tpu.memory_space<vmem>>, vector<1x128xf32>
    %mul3A_508 = vector.broadcast %get3A_507 : vector<1x128xf32> to vector<256x128xf32>
    %mul3A_509 = arith.mulf %get3A_499, %mul3A_508 : vector<256x128xf32>
    %mul3A_510 = arith.mulf %mul3A_509, %mul3A_509 : vector<256x128xf32>
    %reduce_sum3A_511 = arith.constant dense<0.000000e+00> : vector<256xf32>
    %reduce_sum3A_512 = vector.multi_reduction <add>, %mul3A_510, %reduce_sum3A_511 [1] : vector<256x128xf32> to vector<256xf32>
    %broadcast_in_dim3A_513 = vector.shape_cast %reduce_sum3A_512 : vector<256xf32> to vector<256x1xf32>
    %rsqrt3A_514 = math.rsqrt %broadcast_in_dim3A_513 : vector<256x1xf32>
    %mul3A_515 = vector.broadcast %rsqrt3A_514 : vector<256x1xf32> to vector<256x128xf32>
    %mul3A_516 = arith.mulf %mul3A_509, %mul3A_515 : vector<256x128xf32>
    %get3A_517 = arith.constant 1 : index
    %get3A_518 = arith.constant 0 : index
    %get3A_519 = vector.load %arg3[%get3A_517, %get3A_518] : memref<8x128xf32, #tpu.memory_space<vmem>>, vector<1x128xf32>
    %mul3A_520 = vector.broadcast %get3A_519 : vector<1x128xf32> to vector<256x128xf32>
    %mul3A_521 = arith.mulf %get3A_499, %mul3A_520 : vector<256x128xf32>
    %mul3A_522 = arith.mulf %mul3A_521, %mul3A_521 : vector<256x128xf32>
    %reduce_sum3A_523 = arith.constant dense<0.000000e+00> : vector<256xf32>
    %reduce_sum3A_524 = vector.multi_reduction <add>, %mul3A_522, %reduce_sum3A_523 [1] : vector<256x128xf32> to vector<256xf32>
    %broadcast_in_dim3A_525 = vector.shape_cast %reduce_sum3A_524 : vector<256xf32> to vector<256x1xf32>
    %rsqrt3A_526 = math.rsqrt %broadcast_in_dim3A_525 : vector<256x1xf32>
    %mul3A_527 = vector.broadcast %rsqrt3A_526 : vector<256x1xf32> to vector<256x128xf32>
    %mul3A_528 = arith.mulf %mul3A_521, %mul3A_527 : vector<256x128xf32>
    %get3A_529 = arith.constant 2 : index
    %get3A_530 = arith.constant 0 : index
    %get3A_531 = vector.load %arg3[%get3A_529, %get3A_530] : memref<8x128xf32, #tpu.memory_space<vmem>>, vector<1x128xf32>
    %mul3A_532 = vector.broadcast %get3A_531 : vector<1x128xf32> to vector<256x128xf32>
    %mul3A_533 = arith.mulf %get3A_499, %mul3A_532 : vector<256x128xf32>
    %mul3A_534 = arith.mulf %mul3A_533, %mul3A_533 : vector<256x128xf32>
    %reduce_sum3A_535 = arith.constant dense<0.000000e+00> : vector<256xf32>
    %reduce_sum3A_536 = vector.multi_reduction <add>, %mul3A_534, %reduce_sum3A_535 [1] : vector<256x128xf32> to vector<256xf32>
    %broadcast_in_dim3A_537 = vector.shape_cast %reduce_sum3A_536 : vector<256xf32> to vector<256x1xf32>
    %rsqrt3A_538 = math.rsqrt %broadcast_in_dim3A_537 : vector<256x1xf32>
    %mul3A_539 = vector.broadcast %rsqrt3A_538 : vector<256x1xf32> to vector<256x128xf32>
    %mul3A_540 = arith.mulf %mul3A_533, %mul3A_539 : vector<256x128xf32>
    %get3A_541 = arith.constant 3 : index
    %get3A_542 = arith.constant 0 : index
    %get3A_543 = vector.load %arg3[%get3A_541, %get3A_542] : memref<8x128xf32, #tpu.memory_space<vmem>>, vector<1x128xf32>
    %mul3A_544 = vector.broadcast %get3A_543 : vector<1x128xf32> to vector<256x128xf32>
    %mul3A_545 = arith.mulf %get3A_499, %mul3A_544 : vector<256x128xf32>
    %mul3A_546 = arith.mulf %mul3A_545, %mul3A_545 : vector<256x128xf32>
    %reduce_sum3A_547 = arith.constant dense<0.000000e+00> : vector<256xf32>
    %reduce_sum3A_548 = vector.multi_reduction <add>, %mul3A_546, %reduce_sum3A_547 [1] : vector<256x128xf32> to vector<256xf32>
    %broadcast_in_dim3A_549 = vector.shape_cast %reduce_sum3A_548 : vector<256xf32> to vector<256x1xf32>
    %rsqrt3A_550 = math.rsqrt %broadcast_in_dim3A_549 : vector<256x1xf32>
    %mul3A_551 = vector.broadcast %rsqrt3A_550 : vector<256x1xf32> to vector<256x128xf32>
    %mul3A_552 = arith.mulf %mul3A_545, %mul3A_551 : vector<256x128xf32>
    %concatenate3A_553 = tpu.concatenate %mul3A_516, %mul3A_528, %mul3A_540, %mul3A_552 in 1 : vector<256x128xf32>, vector<256x128xf32>, vector<256x128xf32>, vector<256x128xf32> -> vector<256x512xf32>
    %dot_general3A_554 = arith.constant dense<0.000000e+00> : vector<256x256xf32>
    %dot_general3A_555 = tpu.matmul %concatenate3A_553, %concatenate3A_553, %dot_general3A_554 {dimension_numbers = #tpu.dot_dimension_numbers<[1], [1], [0], [0], [0, 0, 1, 0], [], []>, transpose_lhs_hint = false} : vector<256x512xf32>, vector<256x512xf32>, vector<256x256xf32> -> vector<256x256xf32>
    %gt3A_556 = arith.constant 0.000000e+00 : f32
    %gt3A_557 = vector.broadcast %gt3A_556 : f32 to vector<256x256xf32>
    %gt3A_558 = arith.cmpf ogt, %get3A_504, %gt3A_557 : vector<256x256xf32>
    %gt3A_559 = arith.constant 1.200000e+00 : f32
    %gt3A_560 = vector.broadcast %gt3A_559 : f32 to vector<256x256xf32>
    %gt3A_561 = arith.cmpf ogt, %dot_general3A_555, %gt3A_560 : vector<256x256xf32>
    %or3A_562 = arith.ori %gt3A_558, %gt3A_561 : vector<256x256xi1>
    %jit3A_563 = arith.constant 1.000000e+00 : f32
    %jit3A_564 = arith.constant 0.000000e+00 : f32
    %broadcast_in_dim3A_565 = vector.broadcast %jit3A_563 : f32 to vector<256x256xf32>
    %broadcast_in_dim3A_566 = vector.broadcast %jit3A_564 : f32 to vector<256x256xf32>
    %select_n3A_567 = arith.select %or3A_562, %broadcast_in_dim3A_565, %broadcast_in_dim3A_566 : vector<256x256xi1>, vector<256x256xf32>
    %reduce_sum3A_568 = arith.constant dense<0.000000e+00> : vector<256xf32>
    %reduce_sum3A_569 = vector.multi_reduction <add>, %select_n3A_567, %reduce_sum3A_568 [1] : vector<256x256xf32> to vector<256xf32>
    %broadcast_in_dim3A_570 = vector.shape_cast %reduce_sum3A_569 : vector<256xf32> to vector<256x1xf32>
    %add3A_571 = arith.constant 1.000000e+00 : f32
    %add3A_572 = vector.broadcast %add3A_571 : f32 to vector<256x1xf32>
    %add3A_573 = arith.addf %broadcast_in_dim3A_570, %add3A_572 : vector<256x1xf32>
    %rsqrt3A_574 = math.rsqrt %add3A_573 : vector<256x1xf32>
    %get3A_575 = arith.constant 0 : index
    %get3A_576 = arith.constant 0 : index
    %get3A_577 = vector.load %arg4[%get3A_575, %get3A_576] : memref<128x256xf32, #tpu.memory_space<vmem>>, vector<128x256xf32>
    %dot_general3A_578 = arith.constant dense<0.000000e+00> : vector<256x256xf32>
    %dot_general3A_579 = tpu.matmul %get3A_499, %get3A_577, %dot_general3A_578 {dimension_numbers = #tpu.dot_dimension_numbers<[1], [0], [0], [1], [0, 0, 1, 1], [], []>, transpose_lhs_hint = false} : vector<256x128xf32>, vector<128x256xf32>, vector<256x256xf32> -> vector<256x256xf32>
    %mul3A_580 = vector.broadcast %rsqrt3A_574 : vector<256x1xf32> to vector<256x256xf32>
    %mul3A_581 = arith.mulf %mul3A_580, %dot_general3A_579 : vector<256x256xf32>
    %dot_general3A_582 = arith.constant dense<0.000000e+00> : vector<256x256xf32>
    %dot_general3A_583 = tpu.matmul %select_n3A_567, %mul3A_581, %dot_general3A_582 {dimension_numbers = #tpu.dot_dimension_numbers<[1], [0], [0], [1], [0, 0, 1, 1], [], []>, transpose_lhs_hint = false} : vector<256x256xf32>, vector<256x256xf32>, vector<256x256xf32> -> vector<256x256xf32>
    %add3A_584 = arith.addf %dot_general3A_583, %mul3A_581 : vector<256x256xf32>
    %mul3A_585 = vector.broadcast %rsqrt3A_574 : vector<256x1xf32> to vector<256x256xf32>
    %mul3A_586 = arith.mulf %mul3A_585, %add3A_584 : vector<256x256xf32>
    %get3A_587 = arith.constant 0 : index
    %get3A_588 = arith.constant 0 : index
    %get3A_589 = vector.load %arg5[%get3A_587, %get3A_588] : memref<1x256xf32, #tpu.memory_space<vmem>>, vector<1x256xf32>
    %add3A_590 = vector.broadcast %get3A_589 : vector<1x256xf32> to vector<256x256xf32>
    %add3A_591 = arith.addf %mul3A_586, %add3A_590 : vector<256x256xf32>
    %max3A_592 = arith.constant 0.000000e+00 : f32
    %max3A_593 = vector.broadcast %max3A_592 : f32 to vector<256x256xf32>
    %max3A_594 = arith.maximumf %add3A_591, %max3A_593 : vector<256x256xf32>
    %get3A_595 = arith.constant 0 : index
    %get3A_596 = arith.constant 0 : index
    %get3A_597 = vector.load %arg6[%get3A_595, %get3A_596] : memref<256x256xf32, #tpu.memory_space<vmem>>, vector<256x256xf32>
    %dot_general3A_598 = arith.constant dense<0.000000e+00> : vector<256x256xf32>
    %dot_general3A_599 = tpu.matmul %max3A_594, %get3A_597, %dot_general3A_598 {dimension_numbers = #tpu.dot_dimension_numbers<[1], [0], [0], [1], [0, 0, 1, 1], [], []>, transpose_lhs_hint = false} : vector<256x256xf32>, vector<256x256xf32>, vector<256x256xf32> -> vector<256x256xf32>
    %mul3A_600 = vector.broadcast %rsqrt3A_574 : vector<256x1xf32> to vector<256x256xf32>
    %mul3A_601 = arith.mulf %mul3A_600, %dot_general3A_599 : vector<256x256xf32>
    %dot_general3A_602 = arith.constant dense<0.000000e+00> : vector<256x256xf32>
    %dot_general3A_603 = tpu.matmul %select_n3A_567, %mul3A_601, %dot_general3A_602 {dimension_numbers = #tpu.dot_dimension_numbers<[1], [0], [0], [1], [0, 0, 1, 1], [], []>, transpose_lhs_hint = false} : vector<256x256xf32>, vector<256x256xf32>, vector<256x256xf32> -> vector<256x256xf32>
    %add3A_604 = arith.addf %dot_general3A_603, %mul3A_601 : vector<256x256xf32>
    %mul3A_605 = vector.broadcast %rsqrt3A_574 : vector<256x1xf32> to vector<256x256xf32>
    %mul3A_606 = arith.mulf %mul3A_605, %add3A_604 : vector<256x256xf32>
    %get3A_607 = arith.constant 0 : index
    %get3A_608 = arith.constant 0 : index
    %get3A_609 = vector.load %arg7[%get3A_607, %get3A_608] : memref<1x256xf32, #tpu.memory_space<vmem>>, vector<1x256xf32>
    %add3A_610 = vector.broadcast %get3A_609 : vector<1x256xf32> to vector<256x256xf32>
    %add3A_611 = arith.addf %mul3A_606, %add3A_610 : vector<256x256xf32>
    %reduce_sum3A_612 = arith.constant dense<0.000000e+00> : vector<256xf32>
    %reduce_sum3A_613 = vector.multi_reduction <add>, %add3A_611, %reduce_sum3A_612 [0] : vector<256x256xf32> to vector<256xf32>
    %broadcast_in_dim3A_614 = vector.shape_cast %reduce_sum3A_613 : vector<256xf32> to vector<1x256xf32>
    %div3A_615 = arith.constant 2.560000e+02 : f32
    %div3A_616 = vector.broadcast %div3A_615 : f32 to vector<1x256xf32>
    %div3A_617 = arith.divf %broadcast_in_dim3A_614, %div3A_616 : vector<1x256xf32>
    %mul3A_618 = arith.constant 8 : i32
    %mul3A_619 = arith.muli %arg0, %mul3A_618 : i32
    %add3A_620 = arith.constant 4 : i32
    %add3A_621 = arith.addi %mul3A_619, %add3A_620 : i32
    %swap3A_622 = arith.index_cast %add3A_621 : i32 to index
    %swap3A_623 = arith.constant 0 : index
    %swap3A_624 = vector.load %arg16[%swap3A_622, %swap3A_623] : memref<32x256xf32, #tpu.memory_space<vmem>>, vector<1x256xf32>
    tpu.vector_store %arg16[%swap3A_622, %swap3A_623], %div3A_617 {strides = array<i32>} : memref<32x256xf32, #tpu.memory_space<vmem>>, vector<1x256xf32>,
    %get3A_625 = arith.constant 1280 : index
    %get3A_626 = arith.constant 0 : index
    %get3A_627 = vector.load %arg1[%get3A_625, %get3A_626] : memref<2048x128xf32, #tpu.memory_space<vmem>>, vector<256x128xf32>
    %get3A_628 = arith.constant 5 : index
    %get3A_629 = arith.constant 0 : index
    %get3A_630 = arith.constant 0 : index
    %get3A_631 = vector.load %arg2[%get3A_628, %get3A_629, %get3A_630] : memref<8x256x256xf32, #tpu.memory_space<vmem>>, vector<1x256x256xf32>
    %get3A_632 = vector.shape_cast %get3A_631 : vector<1x256x256xf32> to vector<256x256xf32>
    %get3A_633 = arith.constant 0 : index
    %get3A_634 = arith.constant 0 : index
    %get3A_635 = vector.load %arg3[%get3A_633, %get3A_634] : memref<8x128xf32, #tpu.memory_space<vmem>>, vector<1x128xf32>
    %mul3A_636 = vector.broadcast %get3A_635 : vector<1x128xf32> to vector<256x128xf32>
    %mul3A_637 = arith.mulf %get3A_627, %mul3A_636 : vector<256x128xf32>
    %mul3A_638 = arith.mulf %mul3A_637, %mul3A_637 : vector<256x128xf32>
    %reduce_sum3A_639 = arith.constant dense<0.000000e+00> : vector<256xf32>
    %reduce_sum3A_640 = vector.multi_reduction <add>, %mul3A_638, %reduce_sum3A_639 [1] : vector<256x128xf32> to vector<256xf32>
    %broadcast_in_dim3A_641 = vector.shape_cast %reduce_sum3A_640 : vector<256xf32> to vector<256x1xf32>
    %rsqrt3A_642 = math.rsqrt %broadcast_in_dim3A_641 : vector<256x1xf32>
    %mul3A_643 = vector.broadcast %rsqrt3A_642 : vector<256x1xf32> to vector<256x128xf32>
    %mul3A_644 = arith.mulf %mul3A_637, %mul3A_643 : vector<256x128xf32>
    %get3A_645 = arith.constant 1 : index
    %get3A_646 = arith.constant 0 : index
    %get3A_647 = vector.load %arg3[%get3A_645, %get3A_646] : memref<8x128xf32, #tpu.memory_space<vmem>>, vector<1x128xf32>
    %mul3A_648 = vector.broadcast %get3A_647 : vector<1x128xf32> to vector<256x128xf32>
    %mul3A_649 = arith.mulf %get3A_627, %mul3A_648 : vector<256x128xf32>
    %mul3A_650 = arith.mulf %mul3A_649, %mul3A_649 : vector<256x128xf32>
    %reduce_sum3A_651 = arith.constant dense<0.000000e+00> : vector<256xf32>
    %reduce_sum3A_652 = vector.multi_reduction <add>, %mul3A_650, %reduce_sum3A_651 [1] : vector<256x128xf32> to vector<256xf32>
    %broadcast_in_dim3A_653 = vector.shape_cast %reduce_sum3A_652 : vector<256xf32> to vector<256x1xf32>
    %rsqrt3A_654 = math.rsqrt %broadcast_in_dim3A_653 : vector<256x1xf32>
    %mul3A_655 = vector.broadcast %rsqrt3A_654 : vector<256x1xf32> to vector<256x128xf32>
    %mul3A_656 = arith.mulf %mul3A_649, %mul3A_655 : vector<256x128xf32>
    %get3A_657 = arith.constant 2 : index
    %get3A_658 = arith.constant 0 : index
    %get3A_659 = vector.load %arg3[%get3A_657, %get3A_658] : memref<8x128xf32, #tpu.memory_space<vmem>>, vector<1x128xf32>
    %mul3A_660 = vector.broadcast %get3A_659 : vector<1x128xf32> to vector<256x128xf32>
    %mul3A_661 = arith.mulf %get3A_627, %mul3A_660 : vector<256x128xf32>
    %mul3A_662 = arith.mulf %mul3A_661, %mul3A_661 : vector<256x128xf32>
    %reduce_sum3A_663 = arith.constant dense<0.000000e+00> : vector<256xf32>
    %reduce_sum3A_664 = vector.multi_reduction <add>, %mul3A_662, %reduce_sum3A_663 [1] : vector<256x128xf32> to vector<256xf32>
    %broadcast_in_dim3A_665 = vector.shape_cast %reduce_sum3A_664 : vector<256xf32> to vector<256x1xf32>
    %rsqrt3A_666 = math.rsqrt %broadcast_in_dim3A_665 : vector<256x1xf32>
    %mul3A_667 = vector.broadcast %rsqrt3A_666 : vector<256x1xf32> to vector<256x128xf32>
    %mul3A_668 = arith.mulf %mul3A_661, %mul3A_667 : vector<256x128xf32>
    %get3A_669 = arith.constant 3 : index
    %get3A_670 = arith.constant 0 : index
    %get3A_671 = vector.load %arg3[%get3A_669, %get3A_670] : memref<8x128xf32, #tpu.memory_space<vmem>>, vector<1x128xf32>
    %mul3A_672 = vector.broadcast %get3A_671 : vector<1x128xf32> to vector<256x128xf32>
    %mul3A_673 = arith.mulf %get3A_627, %mul3A_672 : vector<256x128xf32>
    %mul3A_674 = arith.mulf %mul3A_673, %mul3A_673 : vector<256x128xf32>
    %reduce_sum3A_675 = arith.constant dense<0.000000e+00> : vector<256xf32>
    %reduce_sum3A_676 = vector.multi_reduction <add>, %mul3A_674, %reduce_sum3A_675 [1] : vector<256x128xf32> to vector<256xf32>
    %broadcast_in_dim3A_677 = vector.shape_cast %reduce_sum3A_676 : vector<256xf32> to vector<256x1xf32>
    %rsqrt3A_678 = math.rsqrt %broadcast_in_dim3A_677 : vector<256x1xf32>
    %mul3A_679 = vector.broadcast %rsqrt3A_678 : vector<256x1xf32> to vector<256x128xf32>
    %mul3A_680 = arith.mulf %mul3A_673, %mul3A_679 : vector<256x128xf32>
    %concatenate3A_681 = tpu.concatenate %mul3A_644, %mul3A_656, %mul3A_668, %mul3A_680 in 1 : vector<256x128xf32>, vector<256x128xf32>, vector<256x128xf32>, vector<256x128xf32> -> vector<256x512xf32>
    %dot_general3A_682 = arith.constant dense<0.000000e+00> : vector<256x256xf32>
    %dot_general3A_683 = tpu.matmul %concatenate3A_681, %concatenate3A_681, %dot_general3A_682 {dimension_numbers = #tpu.dot_dimension_numbers<[1], [1], [0], [0], [0, 0, 1, 0], [], []>, transpose_lhs_hint = false} : vector<256x512xf32>, vector<256x512xf32>, vector<256x256xf32> -> vector<256x256xf32>
    %gt3A_684 = arith.constant 0.000000e+00 : f32
    %gt3A_685 = vector.broadcast %gt3A_684 : f32 to vector<256x256xf32>
    %gt3A_686 = arith.cmpf ogt, %get3A_632, %gt3A_685 : vector<256x256xf32>
    %gt3A_687 = arith.constant 1.200000e+00 : f32
    %gt3A_688 = vector.broadcast %gt3A_687 : f32 to vector<256x256xf32>
    %gt3A_689 = arith.cmpf ogt, %dot_general3A_683, %gt3A_688 : vector<256x256xf32>
    %or3A_690 = arith.ori %gt3A_686, %gt3A_689 : vector<256x256xi1>
    %jit3A_691 = arith.constant 1.000000e+00 : f32
    %jit3A_692 = arith.constant 0.000000e+00 : f32
    %broadcast_in_dim3A_693 = vector.broadcast %jit3A_691 : f32 to vector<256x256xf32>
    %broadcast_in_dim3A_694 = vector.broadcast %jit3A_692 : f32 to vector<256x256xf32>
    %select_n3A_695 = arith.select %or3A_690, %broadcast_in_dim3A_693, %broadcast_in_dim3A_694 : vector<256x256xi1>, vector<256x256xf32>
    %reduce_sum3A_696 = arith.constant dense<0.000000e+00> : vector<256xf32>
    %reduce_sum3A_697 = vector.multi_reduction <add>, %select_n3A_695, %reduce_sum3A_696 [1] : vector<256x256xf32> to vector<256xf32>
    %broadcast_in_dim3A_698 = vector.shape_cast %reduce_sum3A_697 : vector<256xf32> to vector<256x1xf32>
    %add3A_699 = arith.constant 1.000000e+00 : f32
    %add3A_700 = vector.broadcast %add3A_699 : f32 to vector<256x1xf32>
    %add3A_701 = arith.addf %broadcast_in_dim3A_698, %add3A_700 : vector<256x1xf32>
    %rsqrt3A_702 = math.rsqrt %add3A_701 : vector<256x1xf32>
    %get3A_703 = arith.constant 0 : index
    %get3A_704 = arith.constant 0 : index
    %get3A_705 = vector.load %arg4[%get3A_703, %get3A_704] : memref<128x256xf32, #tpu.memory_space<vmem>>, vector<128x256xf32>
    %dot_general3A_706 = arith.constant dense<0.000000e+00> : vector<256x256xf32>
    %dot_general3A_707 = tpu.matmul %get3A_627, %get3A_705, %dot_general3A_706 {dimension_numbers = #tpu.dot_dimension_numbers<[1], [0], [0], [1], [0, 0, 1, 1], [], []>, transpose_lhs_hint = false} : vector<256x128xf32>, vector<128x256xf32>, vector<256x256xf32> -> vector<256x256xf32>
    %mul3A_708 = vector.broadcast %rsqrt3A_702 : vector<256x1xf32> to vector<256x256xf32>
    %mul3A_709 = arith.mulf %mul3A_708, %dot_general3A_707 : vector<256x256xf32>
    %dot_general3A_710 = arith.constant dense<0.000000e+00> : vector<256x256xf32>
    %dot_general3A_711 = tpu.matmul %select_n3A_695, %mul3A_709, %dot_general3A_710 {dimension_numbers = #tpu.dot_dimension_numbers<[1], [0], [0], [1], [0, 0, 1, 1], [], []>, transpose_lhs_hint = false} : vector<256x256xf32>, vector<256x256xf32>, vector<256x256xf32> -> vector<256x256xf32>
    %add3A_712 = arith.addf %dot_general3A_711, %mul3A_709 : vector<256x256xf32>
    %mul3A_713 = vector.broadcast %rsqrt3A_702 : vector<256x1xf32> to vector<256x256xf32>
    %mul3A_714 = arith.mulf %mul3A_713, %add3A_712 : vector<256x256xf32>
    %get3A_715 = arith.constant 0 : index
    %get3A_716 = arith.constant 0 : index
    %get3A_717 = vector.load %arg5[%get3A_715, %get3A_716] : memref<1x256xf32, #tpu.memory_space<vmem>>, vector<1x256xf32>
    %add3A_718 = vector.broadcast %get3A_717 : vector<1x256xf32> to vector<256x256xf32>
    %add3A_719 = arith.addf %mul3A_714, %add3A_718 : vector<256x256xf32>
    %max3A_720 = arith.constant 0.000000e+00 : f32
    %max3A_721 = vector.broadcast %max3A_720 : f32 to vector<256x256xf32>
    %max3A_722 = arith.maximumf %add3A_719, %max3A_721 : vector<256x256xf32>
    %get3A_723 = arith.constant 0 : index
    %get3A_724 = arith.constant 0 : index
    %get3A_725 = vector.load %arg6[%get3A_723, %get3A_724] : memref<256x256xf32, #tpu.memory_space<vmem>>, vector<256x256xf32>
    %dot_general3A_726 = arith.constant dense<0.000000e+00> : vector<256x256xf32>
    %dot_general3A_727 = tpu.matmul %max3A_722, %get3A_725, %dot_general3A_726 {dimension_numbers = #tpu.dot_dimension_numbers<[1], [0], [0], [1], [0, 0, 1, 1], [], []>, transpose_lhs_hint = false} : vector<256x256xf32>, vector<256x256xf32>, vector<256x256xf32> -> vector<256x256xf32>
    %mul3A_728 = vector.broadcast %rsqrt3A_702 : vector<256x1xf32> to vector<256x256xf32>
    %mul3A_729 = arith.mulf %mul3A_728, %dot_general3A_727 : vector<256x256xf32>
    %dot_general3A_730 = arith.constant dense<0.000000e+00> : vector<256x256xf32>
    %dot_general3A_731 = tpu.matmul %select_n3A_695, %mul3A_729, %dot_general3A_730 {dimension_numbers = #tpu.dot_dimension_numbers<[1], [0], [0], [1], [0, 0, 1, 1], [], []>, transpose_lhs_hint = false} : vector<256x256xf32>, vector<256x256xf32>, vector<256x256xf32> -> vector<256x256xf32>
    %add3A_732 = arith.addf %dot_general3A_731, %mul3A_729 : vector<256x256xf32>
    %mul3A_733 = vector.broadcast %rsqrt3A_702 : vector<256x1xf32> to vector<256x256xf32>
    %mul3A_734 = arith.mulf %mul3A_733, %add3A_732 : vector<256x256xf32>
    %get3A_735 = arith.constant 0 : index
    %get3A_736 = arith.constant 0 : index
    %get3A_737 = vector.load %arg7[%get3A_735, %get3A_736] : memref<1x256xf32, #tpu.memory_space<vmem>>, vector<1x256xf32>
    %add3A_738 = vector.broadcast %get3A_737 : vector<1x256xf32> to vector<256x256xf32>
    %add3A_739 = arith.addf %mul3A_734, %add3A_738 : vector<256x256xf32>
    %reduce_sum3A_740 = arith.constant dense<0.000000e+00> : vector<256xf32>
    %reduce_sum3A_741 = vector.multi_reduction <add>, %add3A_739, %reduce_sum3A_740 [0] : vector<256x256xf32> to vector<256xf32>
    %broadcast_in_dim3A_742 = vector.shape_cast %reduce_sum3A_741 : vector<256xf32> to vector<1x256xf32>
    %div3A_743 = arith.constant 2.560000e+02 : f32
    %div3A_744 = vector.broadcast %div3A_743 : f32 to vector<1x256xf32>
    %div3A_745 = arith.divf %broadcast_in_dim3A_742, %div3A_744 : vector<1x256xf32>
    %mul3A_746 = arith.constant 8 : i32
    %mul3A_747 = arith.muli %arg0, %mul3A_746 : i32
    %add3A_748 = arith.constant 5 : i32
    %add3A_749 = arith.addi %mul3A_747, %add3A_748 : i32
    %swap3A_750 = arith.index_cast %add3A_749 : i32 to index
    %swap3A_751 = arith.constant 0 : index
    %swap3A_752 = vector.load %arg16[%swap3A_750, %swap3A_751] : memref<32x256xf32, #tpu.memory_space<vmem>>, vector<1x256xf32>
    tpu.vector_store %arg16[%swap3A_750, %swap3A_751], %div3A_745 {strides = array<i32>} : memref<32x256xf32, #tpu.memory_space<vmem>>, vector<1x256xf32>,
    %get3A_753 = arith.constant 1536 : index
    %get3A_754 = arith.constant 0 : index
    %get3A_755 = vector.load %arg1[%get3A_753, %get3A_754] : memref<2048x128xf32, #tpu.memory_space<vmem>>, vector<256x128xf32>
    %get3A_756 = arith.constant 6 : index
    %get3A_757 = arith.constant 0 : index
    %get3A_758 = arith.constant 0 : index
    %get3A_759 = vector.load %arg2[%get3A_756, %get3A_757, %get3A_758] : memref<8x256x256xf32, #tpu.memory_space<vmem>>, vector<1x256x256xf32>
    %get3A_760 = vector.shape_cast %get3A_759 : vector<1x256x256xf32> to vector<256x256xf32>
    %get3A_761 = arith.constant 0 : index
    %get3A_762 = arith.constant 0 : index
    %get3A_763 = vector.load %arg3[%get3A_761, %get3A_762] : memref<8x128xf32, #tpu.memory_space<vmem>>, vector<1x128xf32>
    %mul3A_764 = vector.broadcast %get3A_763 : vector<1x128xf32> to vector<256x128xf32>
    %mul3A_765 = arith.mulf %get3A_755, %mul3A_764 : vector<256x128xf32>
    %mul3A_766 = arith.mulf %mul3A_765, %mul3A_765 : vector<256x128xf32>
    %reduce_sum3A_767 = arith.constant dense<0.000000e+00> : vector<256xf32>
    %reduce_sum3A_768 = vector.multi_reduction <add>, %mul3A_766, %reduce_sum3A_767 [1] : vector<256x128xf32> to vector<256xf32>
    %broadcast_in_dim3A_769 = vector.shape_cast %reduce_sum3A_768 : vector<256xf32> to vector<256x1xf32>
    %rsqrt3A_770 = math.rsqrt %broadcast_in_dim3A_769 : vector<256x1xf32>
    %mul3A_771 = vector.broadcast %rsqrt3A_770 : vector<256x1xf32> to vector<256x128xf32>
    %mul3A_772 = arith.mulf %mul3A_765, %mul3A_771 : vector<256x128xf32>
    %get3A_773 = arith.constant 1 : index
    %get3A_774 = arith.constant 0 : index
    %get3A_775 = vector.load %arg3[%get3A_773, %get3A_774] : memref<8x128xf32, #tpu.memory_space<vmem>>, vector<1x128xf32>
    %mul3A_776 = vector.broadcast %get3A_775 : vector<1x128xf32> to vector<256x128xf32>
    %mul3A_777 = arith.mulf %get3A_755, %mul3A_776 : vector<256x128xf32>
    %mul3A_778 = arith.mulf %mul3A_777, %mul3A_777 : vector<256x128xf32>
    %reduce_sum3A_779 = arith.constant dense<0.000000e+00> : vector<256xf32>
    %reduce_sum3A_780 = vector.multi_reduction <add>, %mul3A_778, %reduce_sum3A_779 [1] : vector<256x128xf32> to vector<256xf32>
    %broadcast_in_dim3A_781 = vector.shape_cast %reduce_sum3A_780 : vector<256xf32> to vector<256x1xf32>
    %rsqrt3A_782 = math.rsqrt %broadcast_in_dim3A_781 : vector<256x1xf32>
    %mul3A_783 = vector.broadcast %rsqrt3A_782 : vector<256x1xf32> to vector<256x128xf32>
    %mul3A_784 = arith.mulf %mul3A_777, %mul3A_783 : vector<256x128xf32>
    %get3A_785 = arith.constant 2 : index
    %get3A_786 = arith.constant 0 : index
    %get3A_787 = vector.load %arg3[%get3A_785, %get3A_786] : memref<8x128xf32, #tpu.memory_space<vmem>>, vector<1x128xf32>
    %mul3A_788 = vector.broadcast %get3A_787 : vector<1x128xf32> to vector<256x128xf32>
    %mul3A_789 = arith.mulf %get3A_755, %mul3A_788 : vector<256x128xf32>
    %mul3A_790 = arith.mulf %mul3A_789, %mul3A_789 : vector<256x128xf32>
    %reduce_sum3A_791 = arith.constant dense<0.000000e+00> : vector<256xf32>
    %reduce_sum3A_792 = vector.multi_reduction <add>, %mul3A_790, %reduce_sum3A_791 [1] : vector<256x128xf32> to vector<256xf32>
    %broadcast_in_dim3A_793 = vector.shape_cast %reduce_sum3A_792 : vector<256xf32> to vector<256x1xf32>
    %rsqrt3A_794 = math.rsqrt %broadcast_in_dim3A_793 : vector<256x1xf32>
    %mul3A_795 = vector.broadcast %rsqrt3A_794 : vector<256x1xf32> to vector<256x128xf32>
    %mul3A_796 = arith.mulf %mul3A_789, %mul3A_795 : vector<256x128xf32>
    %get3A_797 = arith.constant 3 : index
    %get3A_798 = arith.constant 0 : index
    %get3A_799 = vector.load %arg3[%get3A_797, %get3A_798] : memref<8x128xf32, #tpu.memory_space<vmem>>, vector<1x128xf32>
    %mul3A_800 = vector.broadcast %get3A_799 : vector<1x128xf32> to vector<256x128xf32>
    %mul3A_801 = arith.mulf %get3A_755, %mul3A_800 : vector<256x128xf32>
    %mul3A_802 = arith.mulf %mul3A_801, %mul3A_801 : vector<256x128xf32>
    %reduce_sum3A_803 = arith.constant dense<0.000000e+00> : vector<256xf32>
    %reduce_sum3A_804 = vector.multi_reduction <add>, %mul3A_802, %reduce_sum3A_803 [1] : vector<256x128xf32> to vector<256xf32>
    %broadcast_in_dim3A_805 = vector.shape_cast %reduce_sum3A_804 : vector<256xf32> to vector<256x1xf32>
    %rsqrt3A_806 = math.rsqrt %broadcast_in_dim3A_805 : vector<256x1xf32>
    %mul3A_807 = vector.broadcast %rsqrt3A_806 : vector<256x1xf32> to vector<256x128xf32>
    %mul3A_808 = arith.mulf %mul3A_801, %mul3A_807 : vector<256x128xf32>
    %concatenate3A_809 = tpu.concatenate %mul3A_772, %mul3A_784, %mul3A_796, %mul3A_808 in 1 : vector<256x128xf32>, vector<256x128xf32>, vector<256x128xf32>, vector<256x128xf32> -> vector<256x512xf32>
    %dot_general3A_810 = arith.constant dense<0.000000e+00> : vector<256x256xf32>
    %dot_general3A_811 = tpu.matmul %concatenate3A_809, %concatenate3A_809, %dot_general3A_810 {dimension_numbers = #tpu.dot_dimension_numbers<[1], [1], [0], [0], [0, 0, 1, 0], [], []>, transpose_lhs_hint = false} : vector<256x512xf32>, vector<256x512xf32>, vector<256x256xf32> -> vector<256x256xf32>
    %gt3A_812 = arith.constant 0.000000e+00 : f32
    %gt3A_813 = vector.broadcast %gt3A_812 : f32 to vector<256x256xf32>
    %gt3A_814 = arith.cmpf ogt, %get3A_760, %gt3A_813 : vector<256x256xf32>
    %gt3A_815 = arith.constant 1.200000e+00 : f32
    %gt3A_816 = vector.broadcast %gt3A_815 : f32 to vector<256x256xf32>
    %gt3A_817 = arith.cmpf ogt, %dot_general3A_811, %gt3A_816 : vector<256x256xf32>
    %or3A_818 = arith.ori %gt3A_814, %gt3A_817 : vector<256x256xi1>
    %jit3A_819 = arith.constant 1.000000e+00 : f32
    %jit3A_820 = arith.constant 0.000000e+00 : f32
    %broadcast_in_dim3A_821 = vector.broadcast %jit3A_819 : f32 to vector<256x256xf32>
    %broadcast_in_dim3A_822 = vector.broadcast %jit3A_820 : f32 to vector<256x256xf32>
    %select_n3A_823 = arith.select %or3A_818, %broadcast_in_dim3A_821, %broadcast_in_dim3A_822 : vector<256x256xi1>, vector<256x256xf32>
    %reduce_sum3A_824 = arith.constant dense<0.000000e+00> : vector<256xf32>
    %reduce_sum3A_825 = vector.multi_reduction <add>, %select_n3A_823, %reduce_sum3A_824 [1] : vector<256x256xf32> to vector<256xf32>
    %broadcast_in_dim3A_826 = vector.shape_cast %reduce_sum3A_825 : vector<256xf32> to vector<256x1xf32>
    %add3A_827 = arith.constant 1.000000e+00 : f32
    %add3A_828 = vector.broadcast %add3A_827 : f32 to vector<256x1xf32>
    %add3A_829 = arith.addf %broadcast_in_dim3A_826, %add3A_828 : vector<256x1xf32>
    %rsqrt3A_830 = math.rsqrt %add3A_829 : vector<256x1xf32>
    %get3A_831 = arith.constant 0 : index
    %get3A_832 = arith.constant 0 : index
    %get3A_833 = vector.load %arg4[%get3A_831, %get3A_832] : memref<128x256xf32, #tpu.memory_space<vmem>>, vector<128x256xf32>
    %dot_general3A_834 = arith.constant dense<0.000000e+00> : vector<256x256xf32>
    %dot_general3A_835 = tpu.matmul %get3A_755, %get3A_833, %dot_general3A_834 {dimension_numbers = #tpu.dot_dimension_numbers<[1], [0], [0], [1], [0, 0, 1, 1], [], []>, transpose_lhs_hint = false} : vector<256x128xf32>, vector<128x256xf32>, vector<256x256xf32> -> vector<256x256xf32>
    %mul3A_836 = vector.broadcast %rsqrt3A_830 : vector<256x1xf32> to vector<256x256xf32>
    %mul3A_837 = arith.mulf %mul3A_836, %dot_general3A_835 : vector<256x256xf32>
    %dot_general3A_838 = arith.constant dense<0.000000e+00> : vector<256x256xf32>
    %dot_general3A_839 = tpu.matmul %select_n3A_823, %mul3A_837, %dot_general3A_838 {dimension_numbers = #tpu.dot_dimension_numbers<[1], [0], [0], [1], [0, 0, 1, 1], [], []>, transpose_lhs_hint = false} : vector<256x256xf32>, vector<256x256xf32>, vector<256x256xf32> -> vector<256x256xf32>
    %add3A_840 = arith.addf %dot_general3A_839, %mul3A_837 : vector<256x256xf32>
    %mul3A_841 = vector.broadcast %rsqrt3A_830 : vector<256x1xf32> to vector<256x256xf32>
    %mul3A_842 = arith.mulf %mul3A_841, %add3A_840 : vector<256x256xf32>
    %get3A_843 = arith.constant 0 : index
    %get3A_844 = arith.constant 0 : index
    %get3A_845 = vector.load %arg5[%get3A_843, %get3A_844] : memref<1x256xf32, #tpu.memory_space<vmem>>, vector<1x256xf32>
    %add3A_846 = vector.broadcast %get3A_845 : vector<1x256xf32> to vector<256x256xf32>
    %add3A_847 = arith.addf %mul3A_842, %add3A_846 : vector<256x256xf32>
    %max3A_848 = arith.constant 0.000000e+00 : f32
    %max3A_849 = vector.broadcast %max3A_848 : f32 to vector<256x256xf32>
    %max3A_850 = arith.maximumf %add3A_847, %max3A_849 : vector<256x256xf32>
    %get3A_851 = arith.constant 0 : index
    %get3A_852 = arith.constant 0 : index
    %get3A_853 = vector.load %arg6[%get3A_851, %get3A_852] : memref<256x256xf32, #tpu.memory_space<vmem>>, vector<256x256xf32>
    %dot_general3A_854 = arith.constant dense<0.000000e+00> : vector<256x256xf32>
    %dot_general3A_855 = tpu.matmul %max3A_850, %get3A_853, %dot_general3A_854 {dimension_numbers = #tpu.dot_dimension_numbers<[1], [0], [0], [1], [0, 0, 1, 1], [], []>, transpose_lhs_hint = false} : vector<256x256xf32>, vector<256x256xf32>, vector<256x256xf32> -> vector<256x256xf32>
    %mul3A_856 = vector.broadcast %rsqrt3A_830 : vector<256x1xf32> to vector<256x256xf32>
    %mul3A_857 = arith.mulf %mul3A_856, %dot_general3A_855 : vector<256x256xf32>
    %dot_general3A_858 = arith.constant dense<0.000000e+00> : vector<256x256xf32>
    %dot_general3A_859 = tpu.matmul %select_n3A_823, %mul3A_857, %dot_general3A_858 {dimension_numbers = #tpu.dot_dimension_numbers<[1], [0], [0], [1], [0, 0, 1, 1], [], []>, transpose_lhs_hint = false} : vector<256x256xf32>, vector<256x256xf32>, vector<256x256xf32> -> vector<256x256xf32>
    %add3A_860 = arith.addf %dot_general3A_859, %mul3A_857 : vector<256x256xf32>
    %mul3A_861 = vector.broadcast %rsqrt3A_830 : vector<256x1xf32> to vector<256x256xf32>
    %mul3A_862 = arith.mulf %mul3A_861, %add3A_860 : vector<256x256xf32>
    %get3A_863 = arith.constant 0 : index
    %get3A_864 = arith.constant 0 : index
    %get3A_865 = vector.load %arg7[%get3A_863, %get3A_864] : memref<1x256xf32, #tpu.memory_space<vmem>>, vector<1x256xf32>
    %add3A_866 = vector.broadcast %get3A_865 : vector<1x256xf32> to vector<256x256xf32>
    %add3A_867 = arith.addf %mul3A_862, %add3A_866 : vector<256x256xf32>
    %reduce_sum3A_868 = arith.constant dense<0.000000e+00> : vector<256xf32>
    %reduce_sum3A_869 = vector.multi_reduction <add>, %add3A_867, %reduce_sum3A_868 [0] : vector<256x256xf32> to vector<256xf32>
    %broadcast_in_dim3A_870 = vector.shape_cast %reduce_sum3A_869 : vector<256xf32> to vector<1x256xf32>
    %div3A_871 = arith.constant 2.560000e+02 : f32
    %div3A_872 = vector.broadcast %div3A_871 : f32 to vector<1x256xf32>
    %div3A_873 = arith.divf %broadcast_in_dim3A_870, %div3A_872 : vector<1x256xf32>
    %mul3A_874 = arith.constant 8 : i32
    %mul3A_875 = arith.muli %arg0, %mul3A_874 : i32
    %add3A_876 = arith.constant 6 : i32
    %add3A_877 = arith.addi %mul3A_875, %add3A_876 : i32
    %swap3A_878 = arith.index_cast %add3A_877 : i32 to index
    %swap3A_879 = arith.constant 0 : index
    %swap3A_880 = vector.load %arg16[%swap3A_878, %swap3A_879] : memref<32x256xf32, #tpu.memory_space<vmem>>, vector<1x256xf32>
    tpu.vector_store %arg16[%swap3A_878, %swap3A_879], %div3A_873 {strides = array<i32>} : memref<32x256xf32, #tpu.memory_space<vmem>>, vector<1x256xf32>,
    %get3A_881 = arith.constant 1792 : index
    %get3A_882 = arith.constant 0 : index
    %get3A_883 = vector.load %arg1[%get3A_881, %get3A_882] : memref<2048x128xf32, #tpu.memory_space<vmem>>, vector<256x128xf32>
    %get3A_884 = arith.constant 7 : index
    %get3A_885 = arith.constant 0 : index
    %get3A_886 = arith.constant 0 : index
    %get3A_887 = vector.load %arg2[%get3A_884, %get3A_885, %get3A_886] : memref<8x256x256xf32, #tpu.memory_space<vmem>>, vector<1x256x256xf32>
    %get3A_888 = vector.shape_cast %get3A_887 : vector<1x256x256xf32> to vector<256x256xf32>
    %get3A_889 = arith.constant 0 : index
    %get3A_890 = arith.constant 0 : index
    %get3A_891 = vector.load %arg3[%get3A_889, %get3A_890] : memref<8x128xf32, #tpu.memory_space<vmem>>, vector<1x128xf32>
    %mul3A_892 = vector.broadcast %get3A_891 : vector<1x128xf32> to vector<256x128xf32>
    %mul3A_893 = arith.mulf %get3A_883, %mul3A_892 : vector<256x128xf32>
    %mul3A_894 = arith.mulf %mul3A_893, %mul3A_893 : vector<256x128xf32>
    %reduce_sum3A_895 = arith.constant dense<0.000000e+00> : vector<256xf32>
    %reduce_sum3A_896 = vector.multi_reduction <add>, %mul3A_894, %reduce_sum3A_895 [1] : vector<256x128xf32> to vector<256xf32>
    %broadcast_in_dim3A_897 = vector.shape_cast %reduce_sum3A_896 : vector<256xf32> to vector<256x1xf32>
    %rsqrt3A_898 = math.rsqrt %broadcast_in_dim3A_897 : vector<256x1xf32>
    %mul3A_899 = vector.broadcast %rsqrt3A_898 : vector<256x1xf32> to vector<256x128xf32>
    %mul3A_900 = arith.mulf %mul3A_893, %mul3A_899 : vector<256x128xf32>
    %get3A_901 = arith.constant 1 : index
    %get3A_902 = arith.constant 0 : index
    %get3A_903 = vector.load %arg3[%get3A_901, %get3A_902] : memref<8x128xf32, #tpu.memory_space<vmem>>, vector<1x128xf32>
    %mul3A_904 = vector.broadcast %get3A_903 : vector<1x128xf32> to vector<256x128xf32>
    %mul3A_905 = arith.mulf %get3A_883, %mul3A_904 : vector<256x128xf32>
    %mul3A_906 = arith.mulf %mul3A_905, %mul3A_905 : vector<256x128xf32>
    %reduce_sum3A_907 = arith.constant dense<0.000000e+00> : vector<256xf32>
    %reduce_sum3A_908 = vector.multi_reduction <add>, %mul3A_906, %reduce_sum3A_907 [1] : vector<256x128xf32> to vector<256xf32>
    %broadcast_in_dim3A_909 = vector.shape_cast %reduce_sum3A_908 : vector<256xf32> to vector<256x1xf32>
    %rsqrt3A_910 = math.rsqrt %broadcast_in_dim3A_909 : vector<256x1xf32>
    %mul3A_911 = vector.broadcast %rsqrt3A_910 : vector<256x1xf32> to vector<256x128xf32>
    %mul3A_912 = arith.mulf %mul3A_905, %mul3A_911 : vector<256x128xf32>
    %get3A_913 = arith.constant 2 : index
    %get3A_914 = arith.constant 0 : index
    %get3A_915 = vector.load %arg3[%get3A_913, %get3A_914] : memref<8x128xf32, #tpu.memory_space<vmem>>, vector<1x128xf32>
    %mul3A_916 = vector.broadcast %get3A_915 : vector<1x128xf32> to vector<256x128xf32>
    %mul3A_917 = arith.mulf %get3A_883, %mul3A_916 : vector<256x128xf32>
    %mul3A_918 = arith.mulf %mul3A_917, %mul3A_917 : vector<256x128xf32>
    %reduce_sum3A_919 = arith.constant dense<0.000000e+00> : vector<256xf32>
    %reduce_sum3A_920 = vector.multi_reduction <add>, %mul3A_918, %reduce_sum3A_919 [1] : vector<256x128xf32> to vector<256xf32>
    %broadcast_in_dim3A_921 = vector.shape_cast %reduce_sum3A_920 : vector<256xf32> to vector<256x1xf32>
    %rsqrt3A_922 = math.rsqrt %broadcast_in_dim3A_921 : vector<256x1xf32>
    %mul3A_923 = vector.broadcast %rsqrt3A_922 : vector<256x1xf32> to vector<256x128xf32>
    %mul3A_924 = arith.mulf %mul3A_917, %mul3A_923 : vector<256x128xf32>
    %get3A_925 = arith.constant 3 : index
    %get3A_926 = arith.constant 0 : index
    %get3A_927 = vector.load %arg3[%get3A_925, %get3A_926] : memref<8x128xf32, #tpu.memory_space<vmem>>, vector<1x128xf32>
    %mul3A_928 = vector.broadcast %get3A_927 : vector<1x128xf32> to vector<256x128xf32>
    %mul3A_929 = arith.mulf %get3A_883, %mul3A_928 : vector<256x128xf32>
    %mul3A_930 = arith.mulf %mul3A_929, %mul3A_929 : vector<256x128xf32>
    %reduce_sum3A_931 = arith.constant dense<0.000000e+00> : vector<256xf32>
    %reduce_sum3A_932 = vector.multi_reduction <add>, %mul3A_930, %reduce_sum3A_931 [1] : vector<256x128xf32> to vector<256xf32>
    %broadcast_in_dim3A_933 = vector.shape_cast %reduce_sum3A_932 : vector<256xf32> to vector<256x1xf32>
    %rsqrt3A_934 = math.rsqrt %broadcast_in_dim3A_933 : vector<256x1xf32>
    %mul3A_935 = vector.broadcast %rsqrt3A_934 : vector<256x1xf32> to vector<256x128xf32>
    %mul3A_936 = arith.mulf %mul3A_929, %mul3A_935 : vector<256x128xf32>
    %concatenate3A_937 = tpu.concatenate %mul3A_900, %mul3A_912, %mul3A_924, %mul3A_936 in 1 : vector<256x128xf32>, vector<256x128xf32>, vector<256x128xf32>, vector<256x128xf32> -> vector<256x512xf32>
    %dot_general3A_938 = arith.constant dense<0.000000e+00> : vector<256x256xf32>
    %dot_general3A_939 = tpu.matmul %concatenate3A_937, %concatenate3A_937, %dot_general3A_938 {dimension_numbers = #tpu.dot_dimension_numbers<[1], [1], [0], [0], [0, 0, 1, 0], [], []>, transpose_lhs_hint = false} : vector<256x512xf32>, vector<256x512xf32>, vector<256x256xf32> -> vector<256x256xf32>
    %gt3A_940 = arith.constant 0.000000e+00 : f32
    %gt3A_941 = vector.broadcast %gt3A_940 : f32 to vector<256x256xf32>
    %gt3A_942 = arith.cmpf ogt, %get3A_888, %gt3A_941 : vector<256x256xf32>
    %gt3A_943 = arith.constant 1.200000e+00 : f32
    %gt3A_944 = vector.broadcast %gt3A_943 : f32 to vector<256x256xf32>
    %gt3A_945 = arith.cmpf ogt, %dot_general3A_939, %gt3A_944 : vector<256x256xf32>
    %or3A_946 = arith.ori %gt3A_942, %gt3A_945 : vector<256x256xi1>
    %jit3A_947 = arith.constant 1.000000e+00 : f32
    %jit3A_948 = arith.constant 0.000000e+00 : f32
    %broadcast_in_dim3A_949 = vector.broadcast %jit3A_947 : f32 to vector<256x256xf32>
    %broadcast_in_dim3A_950 = vector.broadcast %jit3A_948 : f32 to vector<256x256xf32>
    %select_n3A_951 = arith.select %or3A_946, %broadcast_in_dim3A_949, %broadcast_in_dim3A_950 : vector<256x256xi1>, vector<256x256xf32>
    %reduce_sum3A_952 = arith.constant dense<0.000000e+00> : vector<256xf32>
    %reduce_sum3A_953 = vector.multi_reduction <add>, %select_n3A_951, %reduce_sum3A_952 [1] : vector<256x256xf32> to vector<256xf32>
    %broadcast_in_dim3A_954 = vector.shape_cast %reduce_sum3A_953 : vector<256xf32> to vector<256x1xf32>
    %add3A_955 = arith.constant 1.000000e+00 : f32
    %add3A_956 = vector.broadcast %add3A_955 : f32 to vector<256x1xf32>
    %add3A_957 = arith.addf %broadcast_in_dim3A_954, %add3A_956 : vector<256x1xf32>
    %rsqrt3A_958 = math.rsqrt %add3A_957 : vector<256x1xf32>
    %get3A_959 = arith.constant 0 : index
    %get3A_960 = arith.constant 0 : index
    %get3A_961 = vector.load %arg4[%get3A_959, %get3A_960] : memref<128x256xf32, #tpu.memory_space<vmem>>, vector<128x256xf32>
    %dot_general3A_962 = arith.constant dense<0.000000e+00> : vector<256x256xf32>
    %dot_general3A_963 = tpu.matmul %get3A_883, %get3A_961, %dot_general3A_962 {dimension_numbers = #tpu.dot_dimension_numbers<[1], [0], [0], [1], [0, 0, 1, 1], [], []>, transpose_lhs_hint = false} : vector<256x128xf32>, vector<128x256xf32>, vector<256x256xf32> -> vector<256x256xf32>
    %mul3A_964 = vector.broadcast %rsqrt3A_958 : vector<256x1xf32> to vector<256x256xf32>
    %mul3A_965 = arith.mulf %mul3A_964, %dot_general3A_963 : vector<256x256xf32>
    %dot_general3A_966 = arith.constant dense<0.000000e+00> : vector<256x256xf32>
    %dot_general3A_967 = tpu.matmul %select_n3A_951, %mul3A_965, %dot_general3A_966 {dimension_numbers = #tpu.dot_dimension_numbers<[1], [0], [0], [1], [0, 0, 1, 1], [], []>, transpose_lhs_hint = false} : vector<256x256xf32>, vector<256x256xf32>, vector<256x256xf32> -> vector<256x256xf32>
    %add3A_968 = arith.addf %dot_general3A_967, %mul3A_965 : vector<256x256xf32>
    %mul3A_969 = vector.broadcast %rsqrt3A_958 : vector<256x1xf32> to vector<256x256xf32>
    %mul3A_970 = arith.mulf %mul3A_969, %add3A_968 : vector<256x256xf32>
    %get3A_971 = arith.constant 0 : index
    %get3A_972 = arith.constant 0 : index
    %get3A_973 = vector.load %arg5[%get3A_971, %get3A_972] : memref<1x256xf32, #tpu.memory_space<vmem>>, vector<1x256xf32>
    %add3A_974 = vector.broadcast %get3A_973 : vector<1x256xf32> to vector<256x256xf32>
    %add3A_975 = arith.addf %mul3A_970, %add3A_974 : vector<256x256xf32>
    %max3A_976 = arith.constant 0.000000e+00 : f32
    %max3A_977 = vector.broadcast %max3A_976 : f32 to vector<256x256xf32>
    %max3A_978 = arith.maximumf %add3A_975, %max3A_977 : vector<256x256xf32>
    %get3A_979 = arith.constant 0 : index
    %get3A_980 = arith.constant 0 : index
    %get3A_981 = vector.load %arg6[%get3A_979, %get3A_980] : memref<256x256xf32, #tpu.memory_space<vmem>>, vector<256x256xf32>
    %dot_general3A_982 = arith.constant dense<0.000000e+00> : vector<256x256xf32>
    %dot_general3A_983 = tpu.matmul %max3A_978, %get3A_981, %dot_general3A_982 {dimension_numbers = #tpu.dot_dimension_numbers<[1], [0], [0], [1], [0, 0, 1, 1], [], []>, transpose_lhs_hint = false} : vector<256x256xf32>, vector<256x256xf32>, vector<256x256xf32> -> vector<256x256xf32>
    %mul3A_984 = vector.broadcast %rsqrt3A_958 : vector<256x1xf32> to vector<256x256xf32>
    %mul3A_985 = arith.mulf %mul3A_984, %dot_general3A_983 : vector<256x256xf32>
    %dot_general3A_986 = arith.constant dense<0.000000e+00> : vector<256x256xf32>
    %dot_general3A_987 = tpu.matmul %select_n3A_951, %mul3A_985, %dot_general3A_986 {dimension_numbers = #tpu.dot_dimension_numbers<[1], [0], [0], [1], [0, 0, 1, 1], [], []>, transpose_lhs_hint = false} : vector<256x256xf32>, vector<256x256xf32>, vector<256x256xf32> -> vector<256x256xf32>
    %add3A_988 = arith.addf %dot_general3A_987, %mul3A_985 : vector<256x256xf32>
    %mul3A_989 = vector.broadcast %rsqrt3A_958 : vector<256x1xf32> to vector<256x256xf32>
    %mul3A_990 = arith.mulf %mul3A_989, %add3A_988 : vector<256x256xf32>
    %get3A_991 = arith.constant 0 : index
    %get3A_992 = arith.constant 0 : index
    %get3A_993 = vector.load %arg7[%get3A_991, %get3A_992] : memref<1x256xf32, #tpu.memory_space<vmem>>, vector<1x256xf32>
    %add3A_994 = vector.broadcast %get3A_993 : vector<1x256xf32> to vector<256x256xf32>
    %add3A_995 = arith.addf %mul3A_990, %add3A_994 : vector<256x256xf32>
    %reduce_sum3A_996 = arith.constant dense<0.000000e+00> : vector<256xf32>
    %reduce_sum3A_997 = vector.multi_reduction <add>, %add3A_995, %reduce_sum3A_996 [0] : vector<256x256xf32> to vector<256xf32>
    %broadcast_in_dim3A_998 = vector.shape_cast %reduce_sum3A_997 : vector<256xf32> to vector<1x256xf32>
    %div3A_999 = arith.constant 2.560000e+02 : f32
    %div3A_1000 = vector.broadcast %div3A_999 : f32 to vector<1x256xf32>
    %div3A_1001 = arith.divf %broadcast_in_dim3A_998, %div3A_1000 : vector<1x256xf32>
    %mul3A_1002 = arith.constant 8 : i32
    %mul3A_1003 = arith.muli %arg0, %mul3A_1002 : i32
    %add3A_1004 = arith.constant 7 : i32
    %add3A_1005 = arith.addi %mul3A_1003, %add3A_1004 : i32
    %swap3A_1006 = arith.index_cast %add3A_1005 : i32 to index
    %swap3A_1007 = arith.constant 0 : index
    %swap3A_1008 = vector.load %arg16[%swap3A_1006, %swap3A_1007] : memref<32x256xf32, #tpu.memory_space<vmem>>, vector<1x256xf32>
    tpu.vector_store %arg16[%swap3A_1006, %swap3A_1007], %div3A_1001 {strides = array<i32>} : memref<32x256xf32, #tpu.memory_space<vmem>>, vector<1x256xf32>,
    %eq3A = arith.constant 3 : i32
    %eq3A_1009 = arith.cmpi eq, %arg0, %eq3A : i32
    %convert_element_type3A = arith.extui %eq3A_1009 : i1 to i32
    %cond3A = arith.constant 0 : i32
    %cond3A_1010 = arith.cmpi ne, %convert_element_type3A, %cond3A : i32
    scf.if %cond3A_1010 {
      %get3A_1011 = arith.constant 0 : index
      %get3A_1012 = arith.constant 0 : index
      %get3A_1013 = vector.load %arg16[%get3A_1011, %get3A_1012] : memref<32x256xf32, #tpu.memory_space<vmem>>, vector<32x256xf32>
      %slice3A = vector.extract_strided_slice %get3A_1013 {offsets = [0, 0], sizes = [32, 128], strides = [1, 1]} : vector<32x256xf32> to vector<32x128xf32>
      %slice3A_1014 = vector.extract_strided_slice %get3A_1013 {offsets = [0, 128], sizes = [32, 128], strides = [1, 1]} : vector<32x256xf32> to vector<32x128xf32>
      %sub3A = arith.constant 1.280000e+02 : f32
      %sub3A_1015 = vector.broadcast %sub3A : f32 to vector<32x128xf32>
      %sub3A_1016 = arith.subf %slice3A_1014, %sub3A_1015 : vector<32x128xf32>
      %max3A_1017 = arith.constant 0.000000e+00 : f32
      %max3A_1018 = vector.broadcast %max3A_1017 : f32 to vector<32x128xf32>
      %max3A_1019 = arith.maximumf %sub3A_1016, %max3A_1018 : vector<32x128xf32>
      %abs3A = math.absf %sub3A_1016 : vector<32x128xf32>
      %neg3A = arith.constant 0.000000e+00 : f32
      %neg3A_1020 = vector.broadcast %neg3A : f32 to vector<32x128xf32>
      %neg3A_1021 = arith.subf %neg3A_1020, %abs3A : vector<32x128xf32>
      %exp3A = math.exp %neg3A_1021 : vector<32x128xf32>
      %log1p3A = math.log1p %exp3A : vector<32x128xf32>
      %add3A_1022 = arith.addf %max3A_1019, %log1p3A : vector<32x128xf32>
      %get3A_1023 = arith.constant 0 : index
      %get3A_1024 = arith.constant 0 : index
      %get3A_1025 = vector.load %arg8[%get3A_1023, %get3A_1024] : memref<32x128xf32, #tpu.memory_space<vmem>>, vector<32x128xf32>
      %mul3A_1026 = arith.mulf %get3A_1025, %add3A_1022 : vector<32x128xf32>
      %add3A_1027 = arith.addf %slice3A, %mul3A_1026 : vector<32x128xf32>
      %get3A_1028 = arith.constant 0 : index
      %get3A_1029 = arith.constant 0 : index
      %get3A_1030 = vector.load %arg9[%get3A_1028, %get3A_1029] : memref<128x128xf32, #tpu.memory_space<vmem>>, vector<128x128xf32>
      %dot_general3A_1031 = arith.constant dense<0.000000e+00> : vector<32x128xf32>
      %dot_general3A_1032 = tpu.matmul %add3A_1027, %get3A_1030, %dot_general3A_1031 {dimension_numbers = #tpu.dot_dimension_numbers<[1], [0], [0], [1], [0, 0, 1, 1], [], []>, transpose_lhs_hint = false} : vector<32x128xf32>, vector<128x128xf32>, vector<32x128xf32> -> vector<32x128xf32>
      %get3A_1033 = arith.constant 0 : index
      %get3A_1034 = arith.constant 0 : index
      %get3A_1035 = vector.load %arg10[%get3A_1033, %get3A_1034] : memref<1x128xf32, #tpu.memory_space<vmem>>, vector<1x128xf32>
      %add3A_1036 = vector.broadcast %get3A_1035 : vector<1x128xf32> to vector<32x128xf32>
      %add3A_1037 = arith.addf %dot_general3A_1032, %add3A_1036 : vector<32x128xf32>
      %max3A_1038 = arith.constant 0.000000e+00 : f32
      %max3A_1039 = vector.broadcast %max3A_1038 : f32 to vector<32x128xf32>
      %max3A_1040 = arith.maximumf %add3A_1037, %max3A_1039 : vector<32x128xf32>
      %get3A_1041 = arith.constant 0 : index
      %get3A_1042 = arith.constant 0 : index
      %get3A_1043 = vector.load %arg11[%get3A_1041, %get3A_1042] : memref<128x128xf32, #tpu.memory_space<vmem>>, vector<128x128xf32>
      %dot_general3A_1044 = arith.constant dense<0.000000e+00> : vector<32x128xf32>
      %dot_general3A_1045 = tpu.matmul %max3A_1040, %get3A_1043, %dot_general3A_1044 {dimension_numbers = #tpu.dot_dimension_numbers<[1], [0], [0], [1], [0, 0, 1, 1], [], []>, transpose_lhs_hint = false} : vector<32x128xf32>, vector<128x128xf32>, vector<32x128xf32> -> vector<32x128xf32>
      %get3A_1046 = arith.constant 0 : index
      %get3A_1047 = arith.constant 0 : index
      %get3A_1048 = vector.load %arg12[%get3A_1046, %get3A_1047] : memref<1x128xf32, #tpu.memory_space<vmem>>, vector<1x128xf32>
      %add3A_1049 = vector.broadcast %get3A_1048 : vector<1x128xf32> to vector<32x128xf32>
      %add3A_1050 = arith.addf %dot_general3A_1045, %add3A_1049 : vector<32x128xf32>
      %swap3A_1051 = arith.constant 0 : index
      %swap3A_1052 = arith.constant 0 : index
      %swap3A_1053 = vector.load %arg15[%swap3A_1051, %swap3A_1052] : memref<32x128xf32, #tpu.memory_space<vmem>>, vector<32x128xf32>
      tpu.vector_store %arg15[%swap3A_1051, %swap3A_1052], %add3A_1050 {strides = array<i32>} : memref<32x128xf32, #tpu.memory_space<vmem>>, vector<32x128xf32>,
      %swap3A_1054 = arith.constant 0 : index
      %swap3A_1055 = arith.constant 0 : index
      %swap3A_1056 = vector.load %arg13[%swap3A_1054, %swap3A_1055] : memref<32x128xf32, #tpu.memory_space<vmem>>, vector<32x128xf32>
      tpu.vector_store %arg13[%swap3A_1054, %swap3A_1055], %slice3A {strides = array<i32>} : memref<32x128xf32, #tpu.memory_space<vmem>>, vector<32x128xf32>,
      %swap3A_1057 = arith.constant 0 : index
      %swap3A_1058 = arith.constant 0 : index
      %swap3A_1059 = vector.load %arg14[%swap3A_1057, %swap3A_1058] : memref<32x128xf32, #tpu.memory_space<vmem>>, vector<32x128xf32>
      tpu.vector_store %arg14[%swap3A_1057, %swap3A_1058], %add3A_1022 {strides = array<i32>} : memref<32x128xf32, #tpu.memory_space<vmem>>, vector<32x128xf32>,
    } else {
    }
    return
  }
  func.func @transform_0(%arg0: i32) -> (i32, i32) {
    %c0_i32 = arith.constant 0 : i32
    %c0_i32_0 = arith.constant 0 : i32
    return %arg0, %c0_i32 : i32, i32
  }
  func.func @transform_1(%arg0: i32) -> (i32, i32, i32) {
    %c0_i32 = arith.constant 0 : i32
    %c0_i32_0 = arith.constant 0 : i32
    %c0_i32_1 = arith.constant 0 : i32
    return %arg0, %c0_i32, %c0_i32_0 : i32, i32, i32
  }
  func.func @transform_2(%arg0: i32) -> (i32, i32) {
    %c0_i32 = arith.constant 0 : i32
    %c0_i32_0 = arith.constant 0 : i32
    %c0_i32_1 = arith.constant 0 : i32
    return %c0_i32, %c0_i32_0 : i32, i32
  }
  func.func @transform_3(%arg0: i32) -> (i32, i32) {
    %c0_i32 = arith.constant 0 : i32
    %c0_i32_0 = arith.constant 0 : i32
    %c0_i32_1 = arith.constant 0 : i32
    return %c0_i32, %c0_i32_0 : i32, i32
  }
  func.func @transform_4(%arg0: i32) -> (i32, i32) {
    %c0_i32 = arith.constant 0 : i32
    %c0_i32_0 = arith.constant 0 : i32
    %c0_i32_1 = arith.constant 0 : i32
    return %c0_i32, %c0_i32_0 : i32, i32
  }
  func.func @transform_5(%arg0: i32) -> (i32, i32) {
    %c0_i32 = arith.constant 0 : i32
    %c0_i32_0 = arith.constant 0 : i32
    %c0_i32_1 = arith.constant 0 : i32
    return %c0_i32, %c0_i32_0 : i32, i32
  }
  func.func @transform_6(%arg0: i32) -> (i32, i32) {
    %c0_i32 = arith.constant 0 : i32
    %c0_i32_0 = arith.constant 0 : i32
    %c0_i32_1 = arith.constant 0 : i32
    return %c0_i32, %c0_i32_0 : i32, i32
  }
  func.func @transform_7(%arg0: i32) -> (i32, i32) {
    %c0_i32 = arith.constant 0 : i32
    %c0_i32_0 = arith.constant 0 : i32
    %c0_i32_1 = arith.constant 0 : i32
    return %c0_i32, %c0_i32_0 : i32, i32
  }
  func.func @transform_8(%arg0: i32) -> (i32, i32) {
    %c0_i32 = arith.constant 0 : i32
    %c0_i32_0 = arith.constant 0 : i32
    %c0_i32_1 = arith.constant 0 : i32
    return %c0_i32, %c0_i32_0 : i32, i32
  }
  func.func @transform_9(%arg0: i32) -> (i32, i32) {
    %c0_i32 = arith.constant 0 : i32
    %c0_i32_0 = arith.constant 0 : i32
    %c0_i32_1 = arith.constant 0 : i32
    return %c0_i32, %c0_i32_0 : i32, i32
  }
  func.func @transform_10(%arg0: i32) -> (i32, i32) {
    %c0_i32 = arith.constant 0 : i32
    %c0_i32_0 = arith.constant 0 : i32
    %c0_i32_1 = arith.constant 0 : i32
    return %c0_i32, %c0_i32_0 : i32, i32
  }
  func.func @transform_11(%arg0: i32) -> (i32, i32) {
    %c0_i32 = arith.constant 0 : i32
    %c0_i32_0 = arith.constant 0 : i32
    %c0_i32_1 = arith.constant 0 : i32
    return %c0_i32, %c0_i32_0 : i32, i32
  }
  func.func @transform_12(%arg0: i32) -> (i32, i32) {
    %c0_i32 = arith.constant 0 : i32
    %c0_i32_0 = arith.constant 0 : i32
    %c0_i32_1 = arith.constant 0 : i32
    return %c0_i32, %c0_i32_0 : i32, i32
  }
  func.func @transform_13(%arg0: i32) -> (i32, i32) {
    %c0_i32 = arith.constant 0 : i32
    %c0_i32_0 = arith.constant 0 : i32
    %c0_i32_1 = arith.constant 0 : i32
    return %c0_i32, %c0_i32_0 : i32, i32
  }
  func.func @transform_14(%arg0: i32) -> (i32, i32) {
    %c0_i32 = arith.constant 0 : i32
    %c0_i32_0 = arith.constant 0 : i32
    %c0_i32_1 = arith.constant 0 : i32
    return %c0_i32, %c0_i32_0 : i32, i32
  }
}

</mosaic_0001>

<sc_bundles>
// kernel: kernel.4.cloned.1.call-start
scs
__scs_entry_jumppad:
0x0: {  	(pc) =	sbr.rel $0x88, $3  }
0x1: {  	(tag) =	ssettag $0x0;
	lr =	simm.s32 $0x1  }
0x2: {  	[smem:$0x3F95] =	sst lr;
	_ =	strace $0xD0000000  }
0x3: {  	_ = 	snop  }
0x4: {  	_ = 	snop  }
0x5: {  	_ = 	snop  }
0x6: {  	_ = 	snop  }
0x7: {  	_ = 	snop  }
__scs_overlays_trampoline_lowered:
0x8: {  	[smem:$0x3FA4] =	sst s0  }
0x9: {  	[smem:$0x3FA5] =	sst s1  }
0xa: {  	[smem:$0x3FA6] =	sst s2  }
0xb: {  	[smem:$0x3FA7] =	sst s3  }
0xc: {  	[smem:$0x3FA8] =	sst s4  }
0xd: {  	[smem:$0x3FA9] =	sst s5  }
0xe: {  	[smem:$0x3FAA] =	sst s6  }
0xf: {  	[smem:$0x3FAB] =	sst s7  }
0x10: {  	[smem:$0x3FAC] =	sst s8  }
0x11: {  	[smem:$0x3FAD] =	sst s9;
	s0 =	simm.s32 @!p0 $0x0  }
0x12: {  	s1 =	sld [smem:$0x3F93];
	s0 =	simm.s32 @p0 $0x1  }
0x13: {  	[smem:$0x3FAE] =	sst s0;
	s0 =	simm.s32 @!p1 $0x0  }
0x14: {  	s2 =	sld [smem:$0x3F92];
	s0 =	simm.s32 @p1 $0x1  }
0x15: {  	[smem:$0x3FAF] =	sst s0;
	s0 =	simm.s32 @!p2 $0x0  }
0x16: {  	s3 =	sld [smem:$0x3FDB];
	s0 =	simm.s32 @p2 $0x1  }
0x17: {  	s4 =	simm.s32 $0x1BF5;
	[smem:$0x3FB1] =	sst s0  }
0x18: {  	s0 =	sld [smem:$0x3F94];
	_ =	swait.ge [sflag:s4], $0x0  }
0x19: {  	s7 =	sld [smem:$0x3F95]  }
0x1a: {  	s8 =	sadd.s32 $0xFFFFE003, lr  }
0x1b: {  	s9 =	sadd.s32 $0xFFFFFEF7, lr;
	s5 =	simm.s32 $0xFFFFFFFF;
	p2 =	slt.u32 s8, $0xFFFFF086  }
0x1c: {  	p1 =	slt.u32 s9, $0xF7A;
	s5 =	simm.s32 @!p2 $0x0  }
0x1d: {  	s5 =	simm.s32 @p1 $0x1;
	p0 =	seq.s32 s7, s2  }
0x1e: {  	s7 =	smul.u32 @!p0 $0xF7A, s2;
	p2 =	seq.s32 @!p0 s5, $0x0  }
0x1f: {  	s9 =	smul.u32 $0xF7A, s1;
	s8 =	simm.s32 @!p0 $0x1BF5;
	p2 =	por !p2, p0  }
0x20: {  	[sflag:s8] =	ssyncset.s32 @!p0 $0xFFFFF086;
	s6 =	sadd.s32 @!p0 s3, s7;
	s7 =	simm.s32 @!p0 $0x108  }
0x21: {  	s3 =	sadd.s32 s3, s9;
	s6 =	sadd.s32 @!p0 $0x88, s6;
	s7 =	simm.s32 @p2 $0x1082  }
0x22: {  	[simem:s7], [sflag:s8] =	dma.local @!p0 [hbm:s6], $0xF7A  }
0x23: {  	s9 =	sor.u32 $0xD0000000, s2;
	s6 =	simm.s32 $0x108;
	_ =	swait.ge @!p0 [sflag:s8], $0x0  }
0x24: {  	s3 =	sadd.s32 $0x88, s3;
	s6 =	simm.s32 @!p1 $0x1082;
	[sflag:s4] =	ssyncset.s32 $0xFFFFF086  }
0x25: {  	[simem:s6], [sflag:s4] =	dma.local [hbm:s3], $0xF7A  }
0x26: {  	[smem:$0x3F95] =	sst s1;
	(tag) =	ssettag s2;
	_ =	strace s9  }
0x27: {  	s1 =	sld [smem:$0x3FA5]  }
0x28: {  	s2 =	sld [smem:$0x3FA6]  }
0x29: {  	s4 =	sld [smem:$0x3FA8]  }
0x2a: {  	p0 =	seq.s32 s5, $0x0;
	s5 =	sld [smem:$0x3FA9]  }
0x2b: {  	s6 =	sld [smem:$0x3FAA]  }
0x2c: {  	s7 =	sld [smem:$0x3FAB]  }
0x2d: {  	s3 =	simm.s32 $0x108;
	s8 =	sld [smem:$0x3FAC]  }
0x2e: {  	s3 =	simm.s32 @!p0 $0x1082;
	s9 =	sld [smem:$0x3FAD]  }
0x2f: {  	lr =	sadd.s32 s0, s3;
	s0 =	sld [smem:$0x3FA4]  }
0x30: {  	s3 =	sld [smem:$0x3FA7]  }
0x31: {  	[smem:$0x3FB0] =	sst s10  }
0x32: {  	s10 =	sld [smem:$0x3FAE];
	_ =	sdelay $0x3  }
0x33: {  	p0 =	seq.s32 s10, $0x1;
	s10 =	sld [smem:$0x3FB0];
	_ =	sdelay $0x3  }
0x34: {  	[smem:$0x3FB0] =	sst s10  }
0x35: {  	s10 =	sld [smem:$0x3FAF];
	_ =	sdelay $0x3  }
0x36: {  	p1 =	seq.s32 s10, $0x1;
	s10 =	sld [smem:$0x3FB0];
	_ =	sdelay $0x3  }
0x37: {  	[smem:$0x3FB0] =	sst s10  }
0x38: {  	s10 =	sld [smem:$0x3FB1]  }
0x39: {  	_ = 	snop;
	(pc) =	sbr.ind lr, $3  }
0x3a: {  	_ = 	snop  }
0x3b: {  	_ = 	snop  }
0x3c: {  	p2 =	seq.s32 s10, $0x1;
	s10 =	sld [smem:$0x3FB0]  }
0x3d: {  	_ =	shalt  }
0x3e: {  	_ =	shalt  }
0x3f: {  	_ =	shalt  }
0x40: {  	_ =	shalt  }
0x41: {  	_ =	shalt  }
0x42: {  	_ =	shalt  }
0x43: {  	_ =	shalt  }
0x44: {  	_ =	shalt  }
0x45: {  	_ =	shalt  }
0x46: {  	_ =	shalt  }
0x47: {  	_ =	shalt  }
0x48: {  	_ =	shalt  }
0x49: {  	_ =	shalt  }
0x4a: {  	_ =	shalt  }
0x4b: {  	_ =	shalt  }
0x4c: {  	_ =	shalt  }
0x4d: {  	_ =	shalt  }
0x4e: {  	_ =	shalt  }
0x4f: {  	_ =	shalt  }
0x50: {  	_ =	shalt  }
0x51: {  	_ =	shalt  }
0x52: {  	_ =	shalt  }
0x53: {  	_ =	shalt  }
0x54: {  	_ =	shalt  }
0x55: {  	_ =	shalt  }
0x56: {  	_ =	shalt  }
0x57: {  	_ =	shalt  }
0x58: {  	_ =	shalt  }
0x59: {  	_ =	shalt  }
0x5a: {  	_ =	shalt  }
0x5b: {  	_ =	shalt  }
0x5c: {  	_ =	shalt  }
0x5d: {  	_ =	shalt  }
0x5e: {  	_ =	shalt  }
0x5f: {  	_ =	shalt  }
0x60: {  	_ =	shalt  }
0x61: {  	_ =	shalt  }
0x62: {  	_ =	shalt  }
0x63: {  	_ =	shalt  }
0x64: {  	_ =	shalt  }
0x65: {  	_ =	shalt  }
0x66: {  	_ =	shalt  }
0x67: {  	_ =	shalt  }
0x68: {  	_ =	shalt  }
0x69: {  	_ =	shalt  }
0x6a: {  	_ =	shalt  }
0x6b: {  	_ =	shalt  }
0x6c: {  	_ =	shalt  }
0x6d: {  	_ =	shalt  }
0x6e: {  	_ =	shalt  }
0x6f: {  	_ =	shalt  }
0x70: {  	_ =	shalt  }
0x71: {  	_ =	shalt  }
0x72: {  	_ =	shalt  }
0x73: {  	_ =	shalt  }
0x74: {  	_ =	shalt  }
0x75: {  	_ =	shalt  }
0x76: {  	_ =	shalt  }
0x77: {  	_ =	shalt  }
0x78: {  	_ =	shalt  }
0x79: {  	_ =	shalt  }
0x7a: {  	_ =	shalt  }
0x7b: {  	_ =	shalt  }
0x7c: {  	_ =	shalt  }
0x7d: {  	_ =	shalt  }
0x7e: {  	_ =	shalt  }
0x7f: {  	_ =	shalt  }
0x80: {  	_ =	shalt  }
0x81: {  	_ =	shalt  }
0x82: {  	_ =	shalt  }
0x83: {  	_ =	shalt  }
0x84: {  	_ =	shalt  }
0x85: {  	_ =	shalt  }
0x86: {  	_ =	shalt  }
0x87: {  	_ =	shalt  }
.Lfunc_end0:
.L_simem_size_0:
called_computation_lowered:
.L_overlay_start_0:
0x88: {  	s2 =	sld [smem:$0x3FD9]  }
0x89: {  	s3 =	sld [smem:$0x3FFE];
	_ =	sdelay $0x1  }
0x8a: {  	s1 =	srdreg.scid  }
0x8b: {  	s0 =	sand.u32 $0x1, s1  }
0x8c: {  	s17 =	sshll.u32 s0, $0xA;
	s2 =	sadd.s32 s3, s2  }
0x8d: {  	s2 =	sadd.s32 s2, s17  }
0x8e: {  	[smem:$0x3FBC] =	sst s2  }
0x8f: {  	_ = 	snop  }
0x90: {  	s2 =	sld [smem:$0x3FC8];
	(tm) =	ssettm $0x1  }
0x91: {  	s18 =	sld [smem:$0x3FFB];
	_ =	sdelay $0x3  }
0x92: {  	_ =	strace s18  }
0x93: {  	s3 =	sld [smem:$0x3FFC];
	_ =	sdelay $0x3  }
0x94: {  	_ =	strace s3  }
0x95: {  	s3 =	sld [smem:$0x3FFD];
	_ =	sdelay $0x3  }
0x96: {  	_ =	strace s3  }
0x97: {  	_ =	strace $0x8FFFFFFF  }
0x98: {  	s19 =	sld [smem:$0x3FDB];
	_ =	sdelay $0x1  }
0x99: {  	s4 =	simm.s32 $_scs_section_size  }
0x9a: {  	s5 =	simm.s32 $_size__tile_overlayer_lowered;
	s6 =	simm.s32 $_tile_overlayer_lowered  }
0x9b: {  	s22 =	simm.s32 $0x1BFF;
	s21 =	sshll.u32 s6, $0x1;
	s3 =	sadd.s32 s4, s19  }
0x9c: {  	s7 =	simm.s32 $0x0;
	s20 =	sshll.u32 s5, $0x1;
	s5 =	sadd.s32 s21, s3  }
0x9d: {  	[timem:s7], [sflag:s22] =	dma.local [hbm:s5], s20  }
0x9e: {  	_ =	swait.ge [sflag:s22], s20  }
0x9f: {  	s4 =	ssub.s32 $0x0, s20;
	[sflag:s22] =	ssyncset.done $0x0  }
0xa0: {  	[sflag:s22] =	ssyncadd.s32 s4;
	_ =	sdelay $0x1  }
0xa1: {  	s23 =	simm.s32 $0x1B8B  }
0xa2: {  	_ =	swait.ge [sflag:s23], $0x1  }
0xa3: {  	[sflag:s23] =	ssyncset.done $0x0  }
0xa4: {  	s25 =	simm.s32 $0x1B8E;
	s24 =	sld [smem:$0x3FFE];
	[sflag:s23] =	ssyncadd.s32 $0xFFFFFFFF  }
0xa5: {  	s26 =	simm.s32 $execute0_lowered;
	[smem:$0x3FD2] =	sst s25  }
0xa6: {  	s5 =	sshll.u32 s26, $0x1;
	_ =	strace $0x80000046;
	[dreg:$0x1] =	wrdreg $0xFFFFFFFF  }
0xa7: {  	s28 =	simm.s32 $_size_execute0_lowered;
	s3 =	sadd.s32 s3, s5;
	[dreg:$0x0] =	wrdreg $0x0  }
0xa8: {  	s5 =	sshll.u32 s28, $0x1;
	[dreg:$0x2] =	wrdreg s3  }
0xa9: {  	[dreg:$0x3] =	wrdreg s5  }
0xaa: {  	[dreg:$0x4] =	wrdreg $0xC0  }
0xab: {  	_ =	task [dreg:s7], $0x5FFFF  }
0xac: {  	[dreg:$0x1] =	wrdreg $0xFFFFFFFF  }
0xad: {  	[dreg:$0x0] =	wrdreg $0x60  }
0xae: {  	[dreg:$0x2] =	wrdreg s2  }
0xaf: {  	[dreg:$0x3] =	wrdreg s24  }
0xb0: {  	[dreg:$0x4] =	wrdreg $0x9  }
0xb1: {  	_ =	task.clear_ibuf [dreg:s7], $0x5FFFF;
	_ =	strace $0x90000046  }
0xb2: {  	s29 =	simm.s32 $0x9;
	_ =	strace $0x80000048  }
0xb3: {  	_ =	swait.ge [sflag:s29], $0x1  }
0xb4: {  	[sflag:s29] =	ssyncadd.s32 $0xFFFFFFFF  }
0xb5: {  	_ =	strace $0x90000048  }
0xb6: {  	_ =	sfence  }
0xb7: {  	s30 =	sld [smem:$0x0];
	_ =	sdelay $0x2  }
0xb8: {  	s31 =	sshll.u32 s1, $0xD;
	s1 =	sshrl.u32 s1, $0x2  }
0xb9: {  	s3 =	sand.u32 $0x4000, s31;
	s1 =	sadd.s32 s1, s30  }
0xba: {  	s0 =	sor.u32 s3, s0;
	s1 =	sshll.u32 s1, $0x11  }
0xbb: {  	s0 =	sor.u32 s1, s0  }
0xbc: {  	s0 =	sadd.s32 $0x8F2B, s0  }
0xbd: {  	[sflag:s0] =	ssyncadd.remote.s32 $0x1  }
0xbe: {  	_ =	sfence.sel $0xFFFF  }
0xbf: {  	[dreg:$0x0] =	wrdreg $0xFFFFFFFF;
	(pc) =	sbr.abs _section_cstart, $3  }
0xc0: {  	[dreg:$0x1] =	wrdreg $0xFFFFFFFF  }
0xc1: {  	_ =	task.clear_ibuf [dreg:s7], $0x2FFFF;
	_ =	strace $0x9FFFFFFF  }
0xc2: {  	(tm) =	ssettm $0x7FFFFFFF  }
0xc3: {  	_ =	shalt  }
tec
execute0_lowered:
.L_overlay_start_1:
0x0: {  	(tag) =	ssettag $0x1  }
0x1: {  	s3 =	rddreg [dreg:$0x0];
	s1 =	srdreg.scid  }
0x2: {  	s0 =	stileid.u32;
	s4 =	rddreg [dreg:$0x1]  }
0x3: {  	s9 =	simm.s32 $0x1000;
	s10 =	simm.s32 $0x1;
	s11 =	simm.s32 $0x2000  }
0x4: {  	s12 =	simm.s32 $0x2;
	s13 =	simm.s32 $0x0;
	s5 =	sand.u32 $0x1, s1  }
0x5: {  	s2 =	sshll.u32 s0, $0x1;
	s1 =	rddreg [dreg:$0x2];
	s7 =	sshll.u32 s0, $0xA  }
0x6: {  	s6 =	sor.u32 s5, s2;
	s2 =	simm.s32 $0x0;
	s5 =	ssub.s32 $0x2, s5  }
0x7: {  	s8 =	sshll.u32 s6, $0x4;
	[smem:$0x7FF] =	sst s2;
	s6 =	sshll.u32 s6, $0xD  }
0x8: {  	s30 =	sshrl.u32 s5, $0x1;
	s7 =	sor.u32 s7, s8;
	_ =	strace $0x80000047  }
0x9: {  	s6 =	sadd.s32 s6, s4;
	s31 =	ssub.s32 s5, s30;
	s7 =	sand.u32 $0x3070, s7  }
0xa: {  	s8 =	simm.s32 $0x400;
	s5 =	sadd.s32 $0x1E00, s6;
	s3 =	sadd.s32 s3, s7  }
0xb: {  	v0 =	vimm.f32 $0.0e+00;
	v1 =	vimm.f32 $1.000000000e+00;
	s6 =	smax.u32 s31, $0x1;
	s7 =	simm.s32 $0x80;
	s4 =	sadd.s32 $0x4000, s3  }
.LBB2_1:
0xc: {  	[tilespmem:s2], [sflag:$0x1] =	stream.strided.gather [hbm4b:s3+s7], $0x1000, s8, s7, $0x38;
	[tilespmem:$0x12000] =	vst v63  }
0xd: {  	s14 =	sand.u32 $0xF800, s2;
	s15 =	sand.u32 $0x380, s2  }
0xe: {  	s14 =	sor.u32 s15, s14  }
0xf: {  	[tilespmem:s9], [sflag:$0x1] =	stream.strided.gather [hbm4b:s4+s7], $0x1000, s8, s7, $0x38;
	[tilespmem:$0x12000] =	vst v63  }
0x10: {  	[tilespmem:s14+$0x2470] =	vst v0  }
0x11: {  	[tilespmem:s14+$0x2000] =	vst v0  }
0x12: {  	[tilespmem:s14+$0x2010] =	vst v0  }
0x13: {  	[tilespmem:s14+$0x2020] =	vst v0  }
0x14: {  	[tilespmem:s14+$0x2030] =	vst v0  }
0x15: {  	[tilespmem:s14+$0x2040] =	vst v0  }
0x16: {  	[tilespmem:s14+$0x2050] =	vst v0  }
0x17: {  	[tilespmem:s14+$0x2060] =	vst v0  }
0x18: {  	[tilespmem:s14+$0x2070] =	vst v0  }
0x19: {  	[tilespmem:s14+$0x2400] =	vst v0  }
0x1a: {  	[tilespmem:s14+$0x2410] =	vst v0  }
0x1b: {  	[tilespmem:s14+$0x2420] =	vst v0  }
0x1c: {  	[tilespmem:s14+$0x2430] =	vst v0  }
0x1d: {  	s16 =	simm.s32 $0x100;
	s15 =	simm.s32 $0x80;
	[tilespmem:s14+$0x2440] =	vst v0  }
0x1e: {  	s17 =	sand.u32 $0xF800, s16;
	s16 =	simm.s32 $0x200;
	s18 =	sand.u32 $0x380, s15;
	[tilespmem:s14+$0x2450] =	vst v0  }
.LBB2_2:
0x1f: {  	p0 =	sne.s32 s16, $0xFF00;
	[tilespmem:s14+$0x2460] =	vst v0;
	s14 =	sor.u32 s18, s17  }
0x20: {  	[tilespmem:s14+$0x2470] =	vst v0  }
0x21: {  	[tilespmem:s14+$0x2000] =	vst v0  }
0x22: {  	[tilespmem:s14+$0x2010] =	vst v0  }
0x23: {  	[tilespmem:s14+$0x2020] =	vst v0  }
0x24: {  	[tilespmem:s14+$0x2030] =	vst v0  }
0x25: {  	[tilespmem:s14+$0x2040] =	vst v0  }
0x26: {  	[tilespmem:s14+$0x2050] =	vst v0  }
0x27: {  	[tilespmem:s14+$0x2060] =	vst v0  }
0x28: {  	[tilespmem:s14+$0x2070] =	vst v0  }
0x29: {  	[tilespmem:s14+$0x2400] =	vst v0  }
.Ltmp0:
0x2a: {  	[tilespmem:s14+$0x2410] =	vst v0;
	(pc) =	sbr.rel @p0 .LBB2_2-.Ltmp0, $4  }
0x2b: {  	[tilespmem:s14+$0x2420] =	vst v0  }
0x2c: {  	[tilespmem:s14+$0x2430] =	vst v0  }
0x2d: {  	s15 =	sadd.s32 $0x80, s15;
	[tilespmem:s14+$0x2440] =	vst v0  }
0x2e: {  	s17 =	sand.u32 $0xF800, s16;
	s16 =	sadd.s32 $0x100, s16;
	s18 =	sand.u32 $0x380, s15;
	[tilespmem:s14+$0x2450] =	vst v0  }
0x2f: {  	s15 =	sor.u32 s18, s17;
	[tilespmem:s14+$0x2460] =	vst v0  }
0x30: {  	[tilespmem:s15+$0x2470] =	vst v0  }
0x31: {  	[tilespmem:s15+$0x2000] =	vst v0  }
0x32: {  	[tilespmem:s15+$0x2010] =	vst v0  }
0x33: {  	[tilespmem:s15+$0x2020] =	vst v0  }
0x34: {  	[tilespmem:s15+$0x2030] =	vst v0  }
0x35: {  	[tilespmem:s15+$0x2040] =	vst v0  }
0x36: {  	[tilespmem:s15+$0x2050] =	vst v0  }
0x37: {  	[tilespmem:s15+$0x2060] =	vst v0  }
0x38: {  	[tilespmem:s15+$0x2070] =	vst v0  }
0x39: {  	[tilespmem:s15+$0x2400] =	vst v0  }
0x3a: {  	[tilespmem:s15+$0x2410] =	vst v0  }
0x3b: {  	[tilespmem:s15+$0x2420] =	vst v0  }
0x3c: {  	[tilespmem:s15+$0x2430] =	vst v0  }
0x3d: {  	[tilespmem:s15+$0x2440] =	vst v0  }
0x3e: {  	[tilespmem:s15+$0x2450] =	vst v0  }
0x3f: {  	[tilespmem:s15+$0x2460] =	vst v0  }
0x40: {  	_ =	swait.ge [sflag:s10], $0x1000  }
0x41: {  	[sflag:s10] =	ssyncset.done $0x0  }
0x42: {  	[sflag:s10] =	ssyncadd.s32 $0xFFFFF000  }
0x43: {  	_ =	swait.ge [sflag:s10], $0x1000  }
0x44: {  	[sflag:s10] =	ssyncset.done $0x0  }
0x45: {  	s15 =	simm.s32 $0x0;
	[sflag:s10] =	ssyncadd.s32 $0xFFFFF000  }
0x46: {  	s14 =	simm.s32 $0x40;
	v2 =	vld [tilespmem:s15+$0x1000]  }
.LBB2_4:
0x47: {  	p0 =	sne.s32 s14, $0x3FC0;
	v3 =	vld [tilespmem:s15+$0x0];
	_ =	sdelay $0x4  }
0x48: {  	v5 =	vshll.u32 v2, $0x3;
	v4 =	vshll.u32 v3, $0x8  }
0x49: {  	v5 =	vand.u32 $0xFFFFFC00, v5;
	v3 =	vshll.u32 v3, $0x7;
	v4 =	vand.u32 $0xFFFFF800, v4  }
0x4a: {  	v3 =	vand.u32 $0x380, v3;
	v4 =	vadd.s32 v4, v5  }
0x4b: {  	v2 =	vand.u32 $0x7F, v2;
	v3 =	vor.u32 v3, v4  }
0x4c: {  	v2 =	vor.u32 v2, v3;
	_ =	sdelay $0x1  }
.Ltmp1:
0x4d: {  	(pc) =	sbr.rel @p0 .LBB2_4-.Ltmp1, $3  }
0x4e: {  	_ =	sdelay $0x1  }
0x4f: {  	s15 =	sshra.s32 s14, $0x2;
	[tilespmem:v2+s11+$0x0] =	vst.idx.msk $0xffff, v1  }
0x50: {  	s14 =	sadd.s32 $0x40, s14;
	v2 =	vld [tilespmem:s15+$0x1000]  }
0x51: {  	v3 =	vld [tilespmem:s15+$0x0];
	_ =	sdelay $0x4  }
0x52: {  	v5 =	vshll.u32 v2, $0x3;
	v4 =	vshll.u32 v3, $0x8  }
0x53: {  	v5 =	vand.u32 $0xFFFFFC00, v5;
	v3 =	vshll.u32 v3, $0x7;
	v4 =	vand.u32 $0xFFFFF800, v4  }
0x54: {  	v3 =	vand.u32 $0x380, v3;
	v4 =	vadd.s32 v4, v5  }
0x55: {  	v2 =	vand.u32 $0x7F, v2;
	v3 =	vor.u32 v3, v4  }
0x56: {  	v2 =	vor.u32 v2, v3;
	_ =	sdelay $0x2  }
0x57: {  	s13 =	sadd.s32 $0x1, s13  }
0x58: {  	p0 =	sne.s32 s13, s6  }
.Ltmp2:
0x59: {  	[tilespmem:v2+s11+$0x0] =	vst.idx.msk $0xffff, v1;
	(pc) =	sbr.rel @p0 .LBB2_1-.Ltmp2, $4  }
0x5a: {  	[hbm4b:s5+s2] =	stream.linear.scatter [tilespmem:s11], [sflag:$0x2], $0x10000, $0x38;
	[tilespmem:$0x12000] =	vst v63  }
0x5b: {  	_ =	swait.ge [sflag:s12], $0x10000  }
0x5c: {  	[sflag:s12] =	ssyncset.done $0x0  }
0x5d: {  	[sflag:s12] =	ssyncadd.s32 $0xFFFF0000  }
0x5e: {  	_ =	sfence.sel $0x180000  }
0x5f: {  	[bflag:$0x0] =	sbarrier.arrive $0xFFFF  }
0x60: {  	p0 =	sne.s32 s0, $0x0;
	_ =	strace $0x90000047  }
0x61: {  	s0 =	sadd.s32 @!p0 $0x100000, s1;
	[bflag:$0x2] =	sbarrier.arrive $0xFFFF  }
0x62: {  	[sflag:s0] =	ssyncadd.tile.s32 @!p0 $0x1;
	_ =	shalt  }
.Lfunc_end2:
_tile_overlayer_lowered:
.L_overlay_start_2:
0x63: {  	(tag) =	ssettag $0x2  }
0x64: {  	s0 =	rddreg [dreg:$0x0];
	s2 =	stileid.u32  }
0x65: {  	s1 =	rddreg [dreg:$0x1];
	p0 =	sne.s32 s2, $0x0  }
0x66: {  	s3 =	rddreg [dreg:$0x2];
	[bflag:$0x3] =	sbarrier.arrive $0xFFFF;
	s2 =	simm.s32 @!p0 $0x1C02  }
0x67: {  	[timem:s3], [sflag:s2] =	dma.local @!p0 [hbm:s0], s1  }
0x68: {  	s0 =	simm.s32 @!p0 $0x2  }
0x69: {  	_ =	swait.ge @!p0 [sflag:s0], s1  }
0x6a: {  	s1 =	ssub.s32 @!p0 $0x0, s1;
	[sflag:s0] =	ssyncset.done @!p0 $0x0  }
0x6b: {  	[sflag:s0] =	ssyncadd.s32 @!p0 s1  }
0x6c: {  	[bflag:$0x3] =	sbarrier.arrive $0xFFFF  }
0x6d: {  	_ =	shalt  }

</sc_bundles>
